<compile_context>
chip_gen: v7x
topology: tpu7x:2x2x1
jax: 0.10.2.dev20260603
libtpu: 0.0.44.dev20260713+nightly
codegen_flags: <defaults>
</compile_context>

<pallas_src>
import functools

import jax
import jax.numpy as jnp
from jax import lax
from jax.experimental import pallas as pl
from jax.experimental.pallas import tpu as pltpu
from jax.experimental.pallas import tpu_sc as plsc

VOCAB = 100000
EMB = 64
B = 4096
L = 200
EPS = 1e-06
NEG = -1.0 / EPS

NC = 2
NS = 16
NW = NC * NS
ROWS_PER_TILE = B // NW
RC = 32
NCHUNK = ROWS_PER_TILE // RC
CHUNK_WORDS = RC * L
LAB_BUF = CHUNK_WORDS + 16
NFULL = L // 16
REM = L - NFULL * 16


_BV = 5000


def _matvec_body(emb_ref, w_ref, t_ref):
    t_ref[...] = jnp.sum(emb_ref[...] * w_ref[...], axis=1, keepdims=True)


def _matvec(emb_table, w_row):
    return pl.pallas_call(
        _matvec_body,
        grid=(VOCAB // _BV,),
        in_specs=[
            pl.BlockSpec((_BV, EMB), lambda i: (i, 0)),
            pl.BlockSpec((1, EMB), lambda i: (0, 0)),
        ],
        out_specs=pl.BlockSpec((_BV, 1), lambda i: (i, 0)),
        out_shape=jax.ShapeDtypeStruct((VOCAB, 1), jnp.float32),
    )(emb_table, w_row)



_mesh = plsc.VectorSubcoreMesh(core_axis_name="c", subcore_axis_name="s")


@functools.partial(
    pl.kernel,
    mesh=_mesh,
    compiler_params=pltpu.CompilerParams(needs_layout_passes=False),
    out_type=[
        jax.ShapeDtypeStruct((B * 16,), jnp.float32),
        jax.ShapeDtypeStruct((B * 16,), jnp.float32),
    ],
    scratch_types=[
        pltpu.VMEM((VOCAB,), jnp.float32),
        pltpu.VMEM((LAB_BUF,), jnp.int32),
        pltpu.VMEM((ROWS_PER_TILE * 16,), jnp.float32),
        pltpu.VMEM((ROWS_PER_TILE * 16,), jnp.float32),
    ],
)
def _pool(t_hbm, lab_hbm, s_hbm, c_hbm, t_v, lab_v, s_v, c_v):
    wid = lax.axis_index("s") * NC + lax.axis_index("c")
    pltpu.sync_copy(t_hbm, t_v)
    lane = lax.broadcasted_iota(jnp.int32, (16,), 0)
    rem_mask = lane < REM
    for chunk in range(NCHUNK):
        src = wid * (ROWS_PER_TILE * L) + chunk * CHUNK_WORDS
        pltpu.sync_copy(
            lab_hbm.at[pl.ds(src, CHUNK_WORDS)],
            lab_v.at[pl.ds(0, CHUNK_WORDS)],
        )

        def row_body(r, carry, chunk=chunk):
            base = r * L
            acc_s = jnp.zeros((16,), jnp.float32)
            acc_c = jnp.zeros((16,), jnp.float32)
            for g16 in range(NFULL + 1):
                lab = lab_v[pl.ds(base + g16 * 16, 16)]
                msk = lab > 0
                if g16 == NFULL:
                    msk = msk & rem_mask
                idx = jnp.where(msk, lab, 0)
                vals = plsc.load_gather(t_v, [idx])
                acc_s = acc_s + jnp.where(msk, vals, 0.0)
                acc_c = acc_c + jnp.where(msk, 1.0, 0.0)
            off = (chunk * RC + r) * 16
            s_v[pl.ds(off, 16)] = acc_s
            c_v[pl.ds(off, 16)] = acc_c
            return carry

        lax.fori_loop(0, RC, row_body, 0)
    out = wid * (ROWS_PER_TILE * 16)
    pltpu.sync_copy(s_v, s_hbm.at[pl.ds(out, ROWS_PER_TILE * 16)])
    pltpu.sync_copy(c_v, c_hbm.at[pl.ds(out, ROWS_PER_TILE * 16)])



_BR = 256


def _softmax_body(s2_ref, c2_ref, b_ref, lab_ref, y_ref, a_ref, sm_ref):
    @pl.when(pl.program_id(0) == 0)
    def _():
        s = jnp.sum(s2_ref[...], axis=1, keepdims=True)
        c = jnp.sum(c2_ref[...], axis=1, keepdims=True)
        x = s / (EPS + c) + b_ref[0, 0]
        xm = jnp.where(c > 0, x, NEG)
        n_inv = B * L - jnp.sum(c)
        mrow = jnp.max(xm)
        m = jnp.where(n_inv > 0, jnp.maximum(mrow, NEG), mrow)
        e = jnp.exp(xm - m)
        e_neg = jnp.exp(NEG - m)
        denom = jnp.sum(c * e) + n_inv * e_neg
        a_ref[...] = e / denom
        sm_ref[0] = e_neg / denom

    i = pl.program_id(0)
    a_blk = a_ref[pl.ds(i * _BR, _BR), :]
    y_ref[...] = jnp.where(lab_ref[...] > 0, a_blk, sm_ref[0])


def _softmax(s2, c2, b11, labels):
    return pl.pallas_call(
        _softmax_body,
        grid=(B // _BR,),
        in_specs=[
            pl.BlockSpec((B, 16), lambda i: (0, 0)),
            pl.BlockSpec((B, 16), lambda i: (0, 0)),
            pl.BlockSpec((1, 1), lambda i: (0, 0)),
            pl.BlockSpec((_BR, L), lambda i: (i, 0)),
        ],
        out_specs=pl.BlockSpec((_BR, L), lambda i: (i, 0)),
        out_shape=jax.ShapeDtypeStruct((B, L), jnp.float32),
        scratch_shapes=[
            pltpu.VMEM((B, 1), jnp.float32),
            pltpu.SMEM((1,), jnp.float32),
        ],
    )(s2, c2, b11, labels)




def kernel(labels, emb_table, W, b):
    t = _matvec(emb_table, W.reshape(1, EMB)).reshape(VOCAB)
    s_flat, c_flat = _pool(t, labels.reshape(B * L))
    s2 = s_flat.reshape(B, 16)
    c2 = c_flat.reshape(B, 16)
    return _softmax(s2, c2, b.reshape(1, 1), labels)

# --- scband reference (transcript-rebuilt; emitter-appended) ---
"""Pipeline reference for scband-bag-of-words-weight-25512105739078 (READ-ONLY COPY).

The authoritative reference and input builder live on the scoring server;
editing this copy changes nothing except your own understanding.
"""

import jax, jax.numpy as jnp
import numpy as np

VOCAB = 100000
EMB = 64
B = 4096
L = 200
EPS = 1e-06


def setup_inputs(seed: int = 0) -> dict:
    key = jax.random.key(seed)
    k1, k2, k3 = jax.random.split(key, 3)
    labels = jax.random.randint(k1, (B, L), 0, VOCAB)
    # nn.Embed with normal(stddev=1.0) init
    emb_table = jax.random.normal(k2, (VOCAB, EMB), dtype=jnp.float32)
    # Dense(1) with xavier_uniform kernel, zeros bias
    limit = float(np.sqrt(6.0 / (EMB + 1)))
    W = jax.random.uniform(k3, (EMB, 1), minval=-limit, maxval=limit, dtype=jnp.float32)
    b = jnp.zeros((1,), dtype=jnp.float32)
    return {"labels": labels, "emb_table": emb_table, "W": W, "b": b}


def reference(labels, emb_table, W, b):
    # Bag-of-words mean-pooled embedding over the 'labels' field
    mask = (labels > 0).astype(jnp.float32)[..., None]  # [B, L, 1]
    h = jnp.take(emb_table, labels, axis=0)             # [B, L, EMB] gather
    pooled = (h * mask).sum(axis=-2) / (EPS + mask.sum(axis=-2))  # [B, EMB]
    # MLP remainder: single Dense(1) (no hidden layers after popping vocab/emb)
    x = pooled @ W + b  # [B, 1]
    # WeightingHead: output_type is a string != WEIGHT_TYPE.FLOAT -> softmax transform
    mask2 = (labels > 0).astype(x.dtype)                # [B, L]
    negligible_weight = -1.0 / EPS
    x2 = x * mask2 + (1.0 - mask2) * negligible_weight  # broadcast [B,1]*[B,L] -> [B,L]
    y = jax.nn.softmax(x2.flatten())
    y = jnp.reshape(y, mask2.shape)                     # [B, L]
    return y

if __name__ == "__main__":
    import jax
    _d = setup_inputs()
    print(jax.jit(kernel)(*tuple(_d.values())))

</pallas_src>

<mosaic_0001>
#map = affine_map<(d0, d1) -> (0)>
module attributes {stable_mosaic.version = 14 : i64} {
  func.func @_pool(%arg0: i32, %arg1: i32, %arg2: memref<100000xf32, #tpu.memory_space<hbm>>, %arg3: memref<819200xi32, #tpu.memory_space<hbm>>, %arg4: memref<65536xf32, #tpu.memory_space<hbm>>, %arg5: memref<65536xf32, #tpu.memory_space<hbm>>, %arg6: memref<100000xf32, #tpu.memory_space<vmem>>, %arg7: memref<6416xi32, #tpu.memory_space<vmem>>, %arg8: memref<2048xf32, #tpu.memory_space<vmem>>, %arg9: memref<2048xf32, #tpu.memory_space<vmem>>) attributes {dimension_semantics = [#tpu.dimension_semantics<core_parallel>, #tpu.dimension_semantics<subcore_parallel>], iteration_bounds = array<i64: 2, 16>, scalar_prefetch = 0 : i64, scratch_operands = 4 : i64, tpu.core_type = #tpu.core_type<sc_vector_subcore>, window_params = [{transform_indices = #map}, {transform_indices = #map}, {transform_indices = #map}, {transform_indices = #map}]} {
    %mul3A = arith.constant 2 : i32
    %mul3A_0 = arith.muli %arg1, %mul3A : i32
    %add3A = arith.addi %mul3A_0, %arg0 : i32
    "tpu.region"() ({
      %run_scoped3A = tpu.sem_alloc : memref<!tpu.dma_semaphore, #tpu.memory_space<semaphore_mem>>
      tpu.enqueue_dma source(%arg2 : memref<100000xf32, #tpu.memory_space<hbm>>) target(%arg6 : memref<100000xf32, #tpu.memory_space<vmem>>) target_semaphore(%run_scoped3A : memref<!tpu.dma_semaphore, #tpu.memory_space<semaphore_mem>>)
      tpu.wait_dma2 semaphore(%run_scoped3A : memref<!tpu.dma_semaphore, #tpu.memory_space<semaphore_mem>>) src(%arg2 : memref<100000xf32, #tpu.memory_space<hbm>>) dst(%arg6 : memref<100000xf32, #tpu.memory_space<vmem>>)
      tpu.yield
    }) : () -> ()
    %iota3A = tpu.iota {dimensions = array<i32: 0>} : vector<16xi32>
    %lt3A = arith.constant 8 : i32
    %lt3A_1 = vector.broadcast %lt3A : i32 to vector<16xi32>
    %lt3A_2 = arith.cmpi slt, %iota3A, %lt3A_1 : vector<16xi32>
    %mul3A_3 = arith.constant 25600 : i32
    %mul3A_4 = arith.muli %add3A, %mul3A_3 : i32
    %add3A_5 = arith.constant 0 : i32
    %add3A_6 = arith.addi %mul3A_4, %add3A_5 : i32
    "tpu.region"() ({
      %run_scoped3A = tpu.sem_alloc : memref<!tpu.dma_semaphore, #tpu.memory_space<semaphore_mem>>
      %dma_start3A = arith.constant 0 : i32
      %dma_start3A_44 = tpu.memref_slice %arg7[%dma_start3A] : memref<6416xi32, #tpu.memory_space<vmem>> -> memref<6400xi32, #tpu.memory_space<vmem>>
      %dma_start3A_45 = tpu.memref_slice %arg3[%add3A_6] : memref<819200xi32, #tpu.memory_space<hbm>> -> memref<6400xi32, #tpu.memory_space<hbm>>
      %dma_start3A_46 = arith.constant 0 : i32
      %dma_start3A_47 = tpu.memref_slice %arg7[%dma_start3A_46] : memref<6416xi32, #tpu.memory_space<vmem>> -> memref<6400xi32, #tpu.memory_space<vmem>>
      %dma_start3A_48 = tpu.memref_slice %arg3[%add3A_6] : memref<819200xi32, #tpu.memory_space<hbm>> -> memref<6400xi32, #tpu.memory_space<hbm>>
      tpu.enqueue_dma source(%dma_start3A_48 : memref<6400xi32, #tpu.memory_space<hbm>>) target(%dma_start3A_47 : memref<6400xi32, #tpu.memory_space<vmem>>) target_semaphore(%run_scoped3A : memref<!tpu.dma_semaphore, #tpu.memory_space<semaphore_mem>>)
      %dma_wait3A = arith.constant 0 : i32
      %dma_wait3A_49 = tpu.memref_slice %arg7[%dma_wait3A] : memref<6416xi32, #tpu.memory_space<vmem>> -> memref<6400xi32, #tpu.memory_space<vmem>>
      %dma_wait3A_50 = tpu.memref_slice %arg3[%add3A_6] : memref<819200xi32, #tpu.memory_space<hbm>> -> memref<6400xi32, #tpu.memory_space<hbm>>
      %dma_wait3A_51 = arith.constant 0 : i32
      %dma_wait3A_52 = tpu.memref_slice %arg7[%dma_wait3A_51] : memref<6416xi32, #tpu.memory_space<vmem>> -> memref<6400xi32, #tpu.memory_space<vmem>>
      %dma_wait3A_53 = tpu.memref_slice %arg3[%add3A_6] : memref<819200xi32, #tpu.memory_space<hbm>> -> memref<6400xi32, #tpu.memory_space<hbm>>
      tpu.wait_dma2 semaphore(%run_scoped3A : memref<!tpu.dma_semaphore, #tpu.memory_space<semaphore_mem>>) src(%dma_wait3A_53 : memref<6400xi32, #tpu.memory_space<hbm>>) dst(%dma_wait3A_52 : memref<6400xi32, #tpu.memory_space<vmem>>)
      tpu.yield
    }) : () -> ()
    %scan3A = arith.constant 0 : i32
    %scan3A_7 = arith.constant 0 : i32
    %scan3A_8 = arith.constant 32 : i32
    %scan3A_9 = arith.addi %scan3A_7, %scan3A_8 : i32
    %scan3A_10 = arith.constant 1 : i32
    scf.for %scan3A_44 = %scan3A_7 to %scan3A_9 step %scan3A_10  : i32 {
      %mul3A_45 = arith.constant 200 : i32
      %mul3A_46 = arith.muli %scan3A_44, %mul3A_45 : i32
      %broadcast_in_dim3A = arith.constant 0.000000e+00 : f32
      %broadcast_in_dim3A_47 = vector.broadcast %broadcast_in_dim3A : f32 to vector<16xf32>
      %broadcast_in_dim3A_48 = arith.constant 0.000000e+00 : f32
      %broadcast_in_dim3A_49 = vector.broadcast %broadcast_in_dim3A_48 : f32 to vector<16xf32>
      %add3A_50 = arith.constant 0 : i32
      %add3A_51 = arith.addi %mul3A_46, %add3A_50 : i32
      %get3A = arith.index_cast %add3A_51 : i32 to index
      %get3A_52 = tpu.vector_load %arg7[%get3A] {strides = array<i32>} : memref<6416xi32, #tpu.memory_space<vmem>>, vector<16xi32>,
      %gt3A = arith.constant 0 : i32
      %gt3A_53 = vector.broadcast %gt3A : i32 to vector<16xi32>
      %gt3A_54 = arith.cmpi sgt, %get3A_52, %gt3A_53 : vector<16xi32>
      %jit3A = arith.constant 0 : i32
      %broadcast_in_dim3A_55 = vector.broadcast %jit3A : i32 to vector<16xi32>
      %select_n3A = arith.select %gt3A_54, %get3A_52, %broadcast_in_dim3A_55 : vector<16xi1>, vector<16xi32>
      %gather3A = tpu.vector_load_idx %arg6[%select_n3A] : memref<100000xf32, #tpu.memory_space<vmem>>[vector<16xi32>], vector<16xf32>,
      %jit3A_56 = arith.constant 0.000000e+00 : f32
      %broadcast_in_dim3A_57 = vector.broadcast %jit3A_56 : f32 to vector<16xf32>
      %select_n3A_58 = arith.select %gt3A_54, %gather3A, %broadcast_in_dim3A_57 : vector<16xi1>, vector<16xf32>
      %add3A_59 = arith.addf %broadcast_in_dim3A_47, %select_n3A_58 : vector<16xf32>
      %jit3A_60 = arith.constant 1.000000e+00 : f32
      %jit3A_61 = arith.constant 0.000000e+00 : f32
      %broadcast_in_dim3A_62 = vector.broadcast %jit3A_60 : f32 to vector<16xf32>
      %broadcast_in_dim3A_63 = vector.broadcast %jit3A_61 : f32 to vector<16xf32>
      %select_n3A_64 = arith.select %gt3A_54, %broadcast_in_dim3A_62, %broadcast_in_dim3A_63 : vector<16xi1>, vector<16xf32>
      %add3A_65 = arith.addf %broadcast_in_dim3A_49, %select_n3A_64 : vector<16xf32>
      %add3A_66 = arith.constant 16 : i32
      %add3A_67 = arith.addi %mul3A_46, %add3A_66 : i32
      %get3A_68 = arith.index_cast %add3A_67 : i32 to index
      %get3A_69 = tpu.vector_load %arg7[%get3A_68] {strides = array<i32>} : memref<6416xi32, #tpu.memory_space<vmem>>, vector<16xi32>,
      %gt3A_70 = arith.constant 0 : i32
      %gt3A_71 = vector.broadcast %gt3A_70 : i32 to vector<16xi32>
      %gt3A_72 = arith.cmpi sgt, %get3A_69, %gt3A_71 : vector<16xi32>
      %jit3A_73 = arith.constant 0 : i32
      %broadcast_in_dim3A_74 = vector.broadcast %jit3A_73 : i32 to vector<16xi32>
      %select_n3A_75 = arith.select %gt3A_72, %get3A_69, %broadcast_in_dim3A_74 : vector<16xi1>, vector<16xi32>
      %gather3A_76 = tpu.vector_load_idx %arg6[%select_n3A_75] : memref<100000xf32, #tpu.memory_space<vmem>>[vector<16xi32>], vector<16xf32>,
      %jit3A_77 = arith.constant 0.000000e+00 : f32
      %broadcast_in_dim3A_78 = vector.broadcast %jit3A_77 : f32 to vector<16xf32>
      %select_n3A_79 = arith.select %gt3A_72, %gather3A_76, %broadcast_in_dim3A_78 : vector<16xi1>, vector<16xf32>
      %add3A_80 = arith.addf %add3A_59, %select_n3A_79 : vector<16xf32>
      %jit3A_81 = arith.constant 1.000000e+00 : f32
      %jit3A_82 = arith.constant 0.000000e+00 : f32
      %broadcast_in_dim3A_83 = vector.broadcast %jit3A_81 : f32 to vector<16xf32>
      %broadcast_in_dim3A_84 = vector.broadcast %jit3A_82 : f32 to vector<16xf32>
      %select_n3A_85 = arith.select %gt3A_72, %broadcast_in_dim3A_83, %broadcast_in_dim3A_84 : vector<16xi1>, vector<16xf32>
      %add3A_86 = arith.addf %add3A_65, %select_n3A_85 : vector<16xf32>
      %add3A_87 = arith.constant 32 : i32
      %add3A_88 = arith.addi %mul3A_46, %add3A_87 : i32
      %get3A_89 = arith.index_cast %add3A_88 : i32 to index
      %get3A_90 = tpu.vector_load %arg7[%get3A_89] {strides = array<i32>} : memref<6416xi32, #tpu.memory_space<vmem>>, vector<16xi32>,
      %gt3A_91 = arith.constant 0 : i32
      %gt3A_92 = vector.broadcast %gt3A_91 : i32 to vector<16xi32>
      %gt3A_93 = arith.cmpi sgt, %get3A_90, %gt3A_92 : vector<16xi32>
      %jit3A_94 = arith.constant 0 : i32
      %broadcast_in_dim3A_95 = vector.broadcast %jit3A_94 : i32 to vector<16xi32>
      %select_n3A_96 = arith.select %gt3A_93, %get3A_90, %broadcast_in_dim3A_95 : vector<16xi1>, vector<16xi32>
      %gather3A_97 = tpu.vector_load_idx %arg6[%select_n3A_96] : memref<100000xf32, #tpu.memory_space<vmem>>[vector<16xi32>], vector<16xf32>,
      %jit3A_98 = arith.constant 0.000000e+00 : f32
      %broadcast_in_dim3A_99 = vector.broadcast %jit3A_98 : f32 to vector<16xf32>
      %select_n3A_100 = arith.select %gt3A_93, %gather3A_97, %broadcast_in_dim3A_99 : vector<16xi1>, vector<16xf32>
      %add3A_101 = arith.addf %add3A_80, %select_n3A_100 : vector<16xf32>
      %jit3A_102 = arith.constant 1.000000e+00 : f32
      %jit3A_103 = arith.constant 0.000000e+00 : f32
      %broadcast_in_dim3A_104 = vector.broadcast %jit3A_102 : f32 to vector<16xf32>
      %broadcast_in_dim3A_105 = vector.broadcast %jit3A_103 : f32 to vector<16xf32>
      %select_n3A_106 = arith.select %gt3A_93, %broadcast_in_dim3A_104, %broadcast_in_dim3A_105 : vector<16xi1>, vector<16xf32>
      %add3A_107 = arith.addf %add3A_86, %select_n3A_106 : vector<16xf32>
      %add3A_108 = arith.constant 48 : i32
      %add3A_109 = arith.addi %mul3A_46, %add3A_108 : i32
      %get3A_110 = arith.index_cast %add3A_109 : i32 to index
      %get3A_111 = tpu.vector_load %arg7[%get3A_110] {strides = array<i32>} : memref<6416xi32, #tpu.memory_space<vmem>>, vector<16xi32>,
      %gt3A_112 = arith.constant 0 : i32
      %gt3A_113 = vector.broadcast %gt3A_112 : i32 to vector<16xi32>
      %gt3A_114 = arith.cmpi sgt, %get3A_111, %gt3A_113 : vector<16xi32>
      %jit3A_115 = arith.constant 0 : i32
      %broadcast_in_dim3A_116 = vector.broadcast %jit3A_115 : i32 to vector<16xi32>
      %select_n3A_117 = arith.select %gt3A_114, %get3A_111, %broadcast_in_dim3A_116 : vector<16xi1>, vector<16xi32>
      %gather3A_118 = tpu.vector_load_idx %arg6[%select_n3A_117] : memref<100000xf32, #tpu.memory_space<vmem>>[vector<16xi32>], vector<16xf32>,
      %jit3A_119 = arith.constant 0.000000e+00 : f32
      %broadcast_in_dim3A_120 = vector.broadcast %jit3A_119 : f32 to vector<16xf32>
      %select_n3A_121 = arith.select %gt3A_114, %gather3A_118, %broadcast_in_dim3A_120 : vector<16xi1>, vector<16xf32>
      %add3A_122 = arith.addf %add3A_101, %select_n3A_121 : vector<16xf32>
      %jit3A_123 = arith.constant 1.000000e+00 : f32
      %jit3A_124 = arith.constant 0.000000e+00 : f32
      %broadcast_in_dim3A_125 = vector.broadcast %jit3A_123 : f32 to vector<16xf32>
      %broadcast_in_dim3A_126 = vector.broadcast %jit3A_124 : f32 to vector<16xf32>
      %select_n3A_127 = arith.select %gt3A_114, %broadcast_in_dim3A_125, %broadcast_in_dim3A_126 : vector<16xi1>, vector<16xf32>
      %add3A_128 = arith.addf %add3A_107, %select_n3A_127 : vector<16xf32>
      %add3A_129 = arith.constant 64 : i32
      %add3A_130 = arith.addi %mul3A_46, %add3A_129 : i32
      %get3A_131 = arith.index_cast %add3A_130 : i32 to index
      %get3A_132 = tpu.vector_load %arg7[%get3A_131] {strides = array<i32>} : memref<6416xi32, #tpu.memory_space<vmem>>, vector<16xi32>,
      %gt3A_133 = arith.constant 0 : i32
      %gt3A_134 = vector.broadcast %gt3A_133 : i32 to vector<16xi32>
      %gt3A_135 = arith.cmpi sgt, %get3A_132, %gt3A_134 : vector<16xi32>
      %jit3A_136 = arith.constant 0 : i32
      %broadcast_in_dim3A_137 = vector.broadcast %jit3A_136 : i32 to vector<16xi32>
      %select_n3A_138 = arith.select %gt3A_135, %get3A_132, %broadcast_in_dim3A_137 : vector<16xi1>, vector<16xi32>
      %gather3A_139 = tpu.vector_load_idx %arg6[%select_n3A_138] : memref<100000xf32, #tpu.memory_space<vmem>>[vector<16xi32>], vector<16xf32>,
      %jit3A_140 = arith.constant 0.000000e+00 : f32
      %broadcast_in_dim3A_141 = vector.broadcast %jit3A_140 : f32 to vector<16xf32>
      %select_n3A_142 = arith.select %gt3A_135, %gather3A_139, %broadcast_in_dim3A_141 : vector<16xi1>, vector<16xf32>
      %add3A_143 = arith.addf %add3A_122, %select_n3A_142 : vector<16xf32>
      %jit3A_144 = arith.constant 1.000000e+00 : f32
      %jit3A_145 = arith.constant 0.000000e+00 : f32
      %broadcast_in_dim3A_146 = vector.broadcast %jit3A_144 : f32 to vector<16xf32>
      %broadcast_in_dim3A_147 = vector.broadcast %jit3A_145 : f32 to vector<16xf32>
      %select_n3A_148 = arith.select %gt3A_135, %broadcast_in_dim3A_146, %broadcast_in_dim3A_147 : vector<16xi1>, vector<16xf32>
      %add3A_149 = arith.addf %add3A_128, %select_n3A_148 : vector<16xf32>
      %add3A_150 = arith.constant 80 : i32
      %add3A_151 = arith.addi %mul3A_46, %add3A_150 : i32
      %get3A_152 = arith.index_cast %add3A_151 : i32 to index
      %get3A_153 = tpu.vector_load %arg7[%get3A_152] {strides = array<i32>} : memref<6416xi32, #tpu.memory_space<vmem>>, vector<16xi32>,
      %gt3A_154 = arith.constant 0 : i32
      %gt3A_155 = vector.broadcast %gt3A_154 : i32 to vector<16xi32>
      %gt3A_156 = arith.cmpi sgt, %get3A_153, %gt3A_155 : vector<16xi32>
      %jit3A_157 = arith.constant 0 : i32
      %broadcast_in_dim3A_158 = vector.broadcast %jit3A_157 : i32 to vector<16xi32>
      %select_n3A_159 = arith.select %gt3A_156, %get3A_153, %broadcast_in_dim3A_158 : vector<16xi1>, vector<16xi32>
      %gather3A_160 = tpu.vector_load_idx %arg6[%select_n3A_159] : memref<100000xf32, #tpu.memory_space<vmem>>[vector<16xi32>], vector<16xf32>,
      %jit3A_161 = arith.constant 0.000000e+00 : f32
      %broadcast_in_dim3A_162 = vector.broadcast %jit3A_161 : f32 to vector<16xf32>
      %select_n3A_163 = arith.select %gt3A_156, %gather3A_160, %broadcast_in_dim3A_162 : vector<16xi1>, vector<16xf32>
      %add3A_164 = arith.addf %add3A_143, %select_n3A_163 : vector<16xf32>
      %jit3A_165 = arith.constant 1.000000e+00 : f32
      %jit3A_166 = arith.constant 0.000000e+00 : f32
      %broadcast_in_dim3A_167 = vector.broadcast %jit3A_165 : f32 to vector<16xf32>
      %broadcast_in_dim3A_168 = vector.broadcast %jit3A_166 : f32 to vector<16xf32>
      %select_n3A_169 = arith.select %gt3A_156, %broadcast_in_dim3A_167, %broadcast_in_dim3A_168 : vector<16xi1>, vector<16xf32>
      %add3A_170 = arith.addf %add3A_149, %select_n3A_169 : vector<16xf32>
      %add3A_171 = arith.constant 96 : i32
      %add3A_172 = arith.addi %mul3A_46, %add3A_171 : i32
      %get3A_173 = arith.index_cast %add3A_172 : i32 to index
      %get3A_174 = tpu.vector_load %arg7[%get3A_173] {strides = array<i32>} : memref<6416xi32, #tpu.memory_space<vmem>>, vector<16xi32>,
      %gt3A_175 = arith.constant 0 : i32
      %gt3A_176 = vector.broadcast %gt3A_175 : i32 to vector<16xi32>
      %gt3A_177 = arith.cmpi sgt, %get3A_174, %gt3A_176 : vector<16xi32>
      %jit3A_178 = arith.constant 0 : i32
      %broadcast_in_dim3A_179 = vector.broadcast %jit3A_178 : i32 to vector<16xi32>
      %select_n3A_180 = arith.select %gt3A_177, %get3A_174, %broadcast_in_dim3A_179 : vector<16xi1>, vector<16xi32>
      %gather3A_181 = tpu.vector_load_idx %arg6[%select_n3A_180] : memref<100000xf32, #tpu.memory_space<vmem>>[vector<16xi32>], vector<16xf32>,
      %jit3A_182 = arith.constant 0.000000e+00 : f32
      %broadcast_in_dim3A_183 = vector.broadcast %jit3A_182 : f32 to vector<16xf32>
      %select_n3A_184 = arith.select %gt3A_177, %gather3A_181, %broadcast_in_dim3A_183 : vector<16xi1>, vector<16xf32>
      %add3A_185 = arith.addf %add3A_164, %select_n3A_184 : vector<16xf32>
      %jit3A_186 = arith.constant 1.000000e+00 : f32
      %jit3A_187 = arith.constant 0.000000e+00 : f32
      %broadcast_in_dim3A_188 = vector.broadcast %jit3A_186 : f32 to vector<16xf32>
      %broadcast_in_dim3A_189 = vector.broadcast %jit3A_187 : f32 to vector<16xf32>
      %select_n3A_190 = arith.select %gt3A_177, %broadcast_in_dim3A_188, %broadcast_in_dim3A_189 : vector<16xi1>, vector<16xf32>
      %add3A_191 = arith.addf %add3A_170, %select_n3A_190 : vector<16xf32>
      %add3A_192 = arith.constant 112 : i32
      %add3A_193 = arith.addi %mul3A_46, %add3A_192 : i32
      %get3A_194 = arith.index_cast %add3A_193 : i32 to index
      %get3A_195 = tpu.vector_load %arg7[%get3A_194] {strides = array<i32>} : memref<6416xi32, #tpu.memory_space<vmem>>, vector<16xi32>,
      %gt3A_196 = arith.constant 0 : i32
      %gt3A_197 = vector.broadcast %gt3A_196 : i32 to vector<16xi32>
      %gt3A_198 = arith.cmpi sgt, %get3A_195, %gt3A_197 : vector<16xi32>
      %jit3A_199 = arith.constant 0 : i32
      %broadcast_in_dim3A_200 = vector.broadcast %jit3A_199 : i32 to vector<16xi32>
      %select_n3A_201 = arith.select %gt3A_198, %get3A_195, %broadcast_in_dim3A_200 : vector<16xi1>, vector<16xi32>
      %gather3A_202 = tpu.vector_load_idx %arg6[%select_n3A_201] : memref<100000xf32, #tpu.memory_space<vmem>>[vector<16xi32>], vector<16xf32>,
      %jit3A_203 = arith.constant 0.000000e+00 : f32
      %broadcast_in_dim3A_204 = vector.broadcast %jit3A_203 : f32 to vector<16xf32>
      %select_n3A_205 = arith.select %gt3A_198, %gather3A_202, %broadcast_in_dim3A_204 : vector<16xi1>, vector<16xf32>
      %add3A_206 = arith.addf %add3A_185, %select_n3A_205 : vector<16xf32>
      %jit3A_207 = arith.constant 1.000000e+00 : f32
      %jit3A_208 = arith.constant 0.000000e+00 : f32
      %broadcast_in_dim3A_209 = vector.broadcast %jit3A_207 : f32 to vector<16xf32>
      %broadcast_in_dim3A_210 = vector.broadcast %jit3A_208 : f32 to vector<16xf32>
      %select_n3A_211 = arith.select %gt3A_198, %broadcast_in_dim3A_209, %broadcast_in_dim3A_210 : vector<16xi1>, vector<16xf32>
      %add3A_212 = arith.addf %add3A_191, %select_n3A_211 : vector<16xf32>
      %add3A_213 = arith.constant 128 : i32
      %add3A_214 = arith.addi %mul3A_46, %add3A_213 : i32
      %get3A_215 = arith.index_cast %add3A_214 : i32 to index
      %get3A_216 = tpu.vector_load %arg7[%get3A_215] {strides = array<i32>} : memref<6416xi32, #tpu.memory_space<vmem>>, vector<16xi32>,
      %gt3A_217 = arith.constant 0 : i32
      %gt3A_218 = vector.broadcast %gt3A_217 : i32 to vector<16xi32>
      %gt3A_219 = arith.cmpi sgt, %get3A_216, %gt3A_218 : vector<16xi32>
      %jit3A_220 = arith.constant 0 : i32
      %broadcast_in_dim3A_221 = vector.broadcast %jit3A_220 : i32 to vector<16xi32>
      %select_n3A_222 = arith.select %gt3A_219, %get3A_216, %broadcast_in_dim3A_221 : vector<16xi1>, vector<16xi32>
      %gather3A_223 = tpu.vector_load_idx %arg6[%select_n3A_222] : memref<100000xf32, #tpu.memory_space<vmem>>[vector<16xi32>], vector<16xf32>,
      %jit3A_224 = arith.constant 0.000000e+00 : f32
      %broadcast_in_dim3A_225 = vector.broadcast %jit3A_224 : f32 to vector<16xf32>
      %select_n3A_226 = arith.select %gt3A_219, %gather3A_223, %broadcast_in_dim3A_225 : vector<16xi1>, vector<16xf32>
      %add3A_227 = arith.addf %add3A_206, %select_n3A_226 : vector<16xf32>
      %jit3A_228 = arith.constant 1.000000e+00 : f32
      %jit3A_229 = arith.constant 0.000000e+00 : f32
      %broadcast_in_dim3A_230 = vector.broadcast %jit3A_228 : f32 to vector<16xf32>
      %broadcast_in_dim3A_231 = vector.broadcast %jit3A_229 : f32 to vector<16xf32>
      %select_n3A_232 = arith.select %gt3A_219, %broadcast_in_dim3A_230, %broadcast_in_dim3A_231 : vector<16xi1>, vector<16xf32>
      %add3A_233 = arith.addf %add3A_212, %select_n3A_232 : vector<16xf32>
      %add3A_234 = arith.constant 144 : i32
      %add3A_235 = arith.addi %mul3A_46, %add3A_234 : i32
      %get3A_236 = arith.index_cast %add3A_235 : i32 to index
      %get3A_237 = tpu.vector_load %arg7[%get3A_236] {strides = array<i32>} : memref<6416xi32, #tpu.memory_space<vmem>>, vector<16xi32>,
      %gt3A_238 = arith.constant 0 : i32
      %gt3A_239 = vector.broadcast %gt3A_238 : i32 to vector<16xi32>
      %gt3A_240 = arith.cmpi sgt, %get3A_237, %gt3A_239 : vector<16xi32>
      %jit3A_241 = arith.constant 0 : i32
      %broadcast_in_dim3A_242 = vector.broadcast %jit3A_241 : i32 to vector<16xi32>
      %select_n3A_243 = arith.select %gt3A_240, %get3A_237, %broadcast_in_dim3A_242 : vector<16xi1>, vector<16xi32>
      %gather3A_244 = tpu.vector_load_idx %arg6[%select_n3A_243] : memref<100000xf32, #tpu.memory_space<vmem>>[vector<16xi32>], vector<16xf32>,
      %jit3A_245 = arith.constant 0.000000e+00 : f32
      %broadcast_in_dim3A_246 = vector.broadcast %jit3A_245 : f32 to vector<16xf32>
      %select_n3A_247 = arith.select %gt3A_240, %gather3A_244, %broadcast_in_dim3A_246 : vector<16xi1>, vector<16xf32>
      %add3A_248 = arith.addf %add3A_227, %select_n3A_247 : vector<16xf32>
      %jit3A_249 = arith.constant 1.000000e+00 : f32
      %jit3A_250 = arith.constant 0.000000e+00 : f32
      %broadcast_in_dim3A_251 = vector.broadcast %jit3A_249 : f32 to vector<16xf32>
      %broadcast_in_dim3A_252 = vector.broadcast %jit3A_250 : f32 to vector<16xf32>
      %select_n3A_253 = arith.select %gt3A_240, %broadcast_in_dim3A_251, %broadcast_in_dim3A_252 : vector<16xi1>, vector<16xf32>
      %add3A_254 = arith.addf %add3A_233, %select_n3A_253 : vector<16xf32>
      %add3A_255 = arith.constant 160 : i32
      %add3A_256 = arith.addi %mul3A_46, %add3A_255 : i32
      %get3A_257 = arith.index_cast %add3A_256 : i32 to index
      %get3A_258 = tpu.vector_load %arg7[%get3A_257] {strides = array<i32>} : memref<6416xi32, #tpu.memory_space<vmem>>, vector<16xi32>,
      %gt3A_259 = arith.constant 0 : i32
      %gt3A_260 = vector.broadcast %gt3A_259 : i32 to vector<16xi32>
      %gt3A_261 = arith.cmpi sgt, %get3A_258, %gt3A_260 : vector<16xi32>
      %jit3A_262 = arith.constant 0 : i32
      %broadcast_in_dim3A_263 = vector.broadcast %jit3A_262 : i32 to vector<16xi32>
      %select_n3A_264 = arith.select %gt3A_261, %get3A_258, %broadcast_in_dim3A_263 : vector<16xi1>, vector<16xi32>
      %gather3A_265 = tpu.vector_load_idx %arg6[%select_n3A_264] : memref<100000xf32, #tpu.memory_space<vmem>>[vector<16xi32>], vector<16xf32>,
      %jit3A_266 = arith.constant 0.000000e+00 : f32
      %broadcast_in_dim3A_267 = vector.broadcast %jit3A_266 : f32 to vector<16xf32>
      %select_n3A_268 = arith.select %gt3A_261, %gather3A_265, %broadcast_in_dim3A_267 : vector<16xi1>, vector<16xf32>
      %add3A_269 = arith.addf %add3A_248, %select_n3A_268 : vector<16xf32>
      %jit3A_270 = arith.constant 1.000000e+00 : f32
      %jit3A_271 = arith.constant 0.000000e+00 : f32
      %broadcast_in_dim3A_272 = vector.broadcast %jit3A_270 : f32 to vector<16xf32>
      %broadcast_in_dim3A_273 = vector.broadcast %jit3A_271 : f32 to vector<16xf32>
      %select_n3A_274 = arith.select %gt3A_261, %broadcast_in_dim3A_272, %broadcast_in_dim3A_273 : vector<16xi1>, vector<16xf32>
      %add3A_275 = arith.addf %add3A_254, %select_n3A_274 : vector<16xf32>
      %add3A_276 = arith.constant 176 : i32
      %add3A_277 = arith.addi %mul3A_46, %add3A_276 : i32
      %get3A_278 = arith.index_cast %add3A_277 : i32 to index
      %get3A_279 = tpu.vector_load %arg7[%get3A_278] {strides = array<i32>} : memref<6416xi32, #tpu.memory_space<vmem>>, vector<16xi32>,
      %gt3A_280 = arith.constant 0 : i32
      %gt3A_281 = vector.broadcast %gt3A_280 : i32 to vector<16xi32>
      %gt3A_282 = arith.cmpi sgt, %get3A_279, %gt3A_281 : vector<16xi32>
      %jit3A_283 = arith.constant 0 : i32
      %broadcast_in_dim3A_284 = vector.broadcast %jit3A_283 : i32 to vector<16xi32>
      %select_n3A_285 = arith.select %gt3A_282, %get3A_279, %broadcast_in_dim3A_284 : vector<16xi1>, vector<16xi32>
      %gather3A_286 = tpu.vector_load_idx %arg6[%select_n3A_285] : memref<100000xf32, #tpu.memory_space<vmem>>[vector<16xi32>], vector<16xf32>,
      %jit3A_287 = arith.constant 0.000000e+00 : f32
      %broadcast_in_dim3A_288 = vector.broadcast %jit3A_287 : f32 to vector<16xf32>
      %select_n3A_289 = arith.select %gt3A_282, %gather3A_286, %broadcast_in_dim3A_288 : vector<16xi1>, vector<16xf32>
      %add3A_290 = arith.addf %add3A_269, %select_n3A_289 : vector<16xf32>
      %jit3A_291 = arith.constant 1.000000e+00 : f32
      %jit3A_292 = arith.constant 0.000000e+00 : f32
      %broadcast_in_dim3A_293 = vector.broadcast %jit3A_291 : f32 to vector<16xf32>
      %broadcast_in_dim3A_294 = vector.broadcast %jit3A_292 : f32 to vector<16xf32>
      %select_n3A_295 = arith.select %gt3A_282, %broadcast_in_dim3A_293, %broadcast_in_dim3A_294 : vector<16xi1>, vector<16xf32>
      %add3A_296 = arith.addf %add3A_275, %select_n3A_295 : vector<16xf32>
      %add3A_297 = arith.constant 192 : i32
      %add3A_298 = arith.addi %mul3A_46, %add3A_297 : i32
      %get3A_299 = arith.index_cast %add3A_298 : i32 to index
      %get3A_300 = tpu.vector_load %arg7[%get3A_299] {strides = array<i32>} : memref<6416xi32, #tpu.memory_space<vmem>>, vector<16xi32>,
      %gt3A_301 = arith.constant 0 : i32
      %gt3A_302 = vector.broadcast %gt3A_301 : i32 to vector<16xi32>
      %gt3A_303 = arith.cmpi sgt, %get3A_300, %gt3A_302 : vector<16xi32>
      %and3A = arith.andi %gt3A_303, %lt3A_2 : vector<16xi1>
      %jit3A_304 = arith.constant 0 : i32
      %broadcast_in_dim3A_305 = vector.broadcast %jit3A_304 : i32 to vector<16xi32>
      %select_n3A_306 = arith.select %and3A, %get3A_300, %broadcast_in_dim3A_305 : vector<16xi1>, vector<16xi32>
      %gather3A_307 = tpu.vector_load_idx %arg6[%select_n3A_306] : memref<100000xf32, #tpu.memory_space<vmem>>[vector<16xi32>], vector<16xf32>,
      %jit3A_308 = arith.constant 0.000000e+00 : f32
      %broadcast_in_dim3A_309 = vector.broadcast %jit3A_308 : f32 to vector<16xf32>
      %select_n3A_310 = arith.select %and3A, %gather3A_307, %broadcast_in_dim3A_309 : vector<16xi1>, vector<16xf32>
      %add3A_311 = arith.addf %add3A_290, %select_n3A_310 : vector<16xf32>
      %jit3A_312 = arith.constant 1.000000e+00 : f32
      %jit3A_313 = arith.constant 0.000000e+00 : f32
      %broadcast_in_dim3A_314 = vector.broadcast %jit3A_312 : f32 to vector<16xf32>
      %broadcast_in_dim3A_315 = vector.broadcast %jit3A_313 : f32 to vector<16xf32>
      %select_n3A_316 = arith.select %and3A, %broadcast_in_dim3A_314, %broadcast_in_dim3A_315 : vector<16xi1>, vector<16xf32>
      %add3A_317 = arith.addf %add3A_296, %select_n3A_316 : vector<16xf32>
      %add3A_318 = arith.constant 0 : i32
      %add3A_319 = arith.addi %add3A_318, %scan3A_44 : i32
      %mul3A_320 = arith.constant 16 : i32
      %mul3A_321 = arith.muli %add3A_319, %mul3A_320 : i32
      %swap3A = arith.index_cast %mul3A_321 : i32 to index
      %swap3A_322 = tpu.vector_load %arg8[%swap3A] {strides = array<i32>} : memref<2048xf32, #tpu.memory_space<vmem>>, vector<16xf32>,
      tpu.vector_store %arg8[%swap3A], %add3A_311 {strides = array<i32>} : memref<2048xf32, #tpu.memory_space<vmem>>, vector<16xf32>,
      %swap3A_323 = arith.index_cast %mul3A_321 : i32 to index
      %swap3A_324 = tpu.vector_load %arg9[%swap3A_323] {strides = array<i32>} : memref<2048xf32, #tpu.memory_space<vmem>>, vector<16xf32>,
      tpu.vector_store %arg9[%swap3A_323], %add3A_317 {strides = array<i32>} : memref<2048xf32, #tpu.memory_space<vmem>>, vector<16xf32>,
    }
    %scan3A_11 = arith.constant 32 : i32
    %mul3A_12 = arith.constant 25600 : i32
    %mul3A_13 = arith.muli %add3A, %mul3A_12 : i32
    %add3A_14 = arith.constant 6400 : i32
    %add3A_15 = arith.addi %mul3A_13, %add3A_14 : i32
    "tpu.region"() ({
      %run_scoped3A = tpu.sem_alloc : memref<!tpu.dma_semaphore, #tpu.memory_space<semaphore_mem>>
      %dma_start3A = arith.constant 0 : i32
      %dma_start3A_44 = tpu.memref_slice %arg7[%dma_start3A] : memref<6416xi32, #tpu.memory_space<vmem>> -> memref<6400xi32, #tpu.memory_space<vmem>>
      %dma_start3A_45 = tpu.memref_slice %arg3[%add3A_15] : memref<819200xi32, #tpu.memory_space<hbm>> -> memref<6400xi32, #tpu.memory_space<hbm>>
      %dma_start3A_46 = arith.constant 0 : i32
      %dma_start3A_47 = tpu.memref_slice %arg7[%dma_start3A_46] : memref<6416xi32, #tpu.memory_space<vmem>> -> memref<6400xi32, #tpu.memory_space<vmem>>
      %dma_start3A_48 = tpu.memref_slice %arg3[%add3A_15] : memref<819200xi32, #tpu.memory_space<hbm>> -> memref<6400xi32, #tpu.memory_space<hbm>>
      tpu.enqueue_dma source(%dma_start3A_48 : memref<6400xi32, #tpu.memory_space<hbm>>) target(%dma_start3A_47 : memref<6400xi32, #tpu.memory_space<vmem>>) target_semaphore(%run_scoped3A : memref<!tpu.dma_semaphore, #tpu.memory_space<semaphore_mem>>)
      %dma_wait3A = arith.constant 0 : i32
      %dma_wait3A_49 = tpu.memref_slice %arg7[%dma_wait3A] : memref<6416xi32, #tpu.memory_space<vmem>> -> memref<6400xi32, #tpu.memory_space<vmem>>
      %dma_wait3A_50 = tpu.memref_slice %arg3[%add3A_15] : memref<819200xi32, #tpu.memory_space<hbm>> -> memref<6400xi32, #tpu.memory_space<hbm>>
      %dma_wait3A_51 = arith.constant 0 : i32
      %dma_wait3A_52 = tpu.memref_slice %arg7[%dma_wait3A_51] : memref<6416xi32, #tpu.memory_space<vmem>> -> memref<6400xi32, #tpu.memory_space<vmem>>
      %dma_wait3A_53 = tpu.memref_slice %arg3[%add3A_15] : memref<819200xi32, #tpu.memory_space<hbm>> -> memref<6400xi32, #tpu.memory_space<hbm>>
      tpu.wait_dma2 semaphore(%run_scoped3A : memref<!tpu.dma_semaphore, #tpu.memory_space<semaphore_mem>>) src(%dma_wait3A_53 : memref<6400xi32, #tpu.memory_space<hbm>>) dst(%dma_wait3A_52 : memref<6400xi32, #tpu.memory_space<vmem>>)
      tpu.yield
    }) : () -> ()
    %scan3A_16 = arith.constant 0 : i32
    %scan3A_17 = arith.constant 0 : i32
    %scan3A_18 = arith.constant 32 : i32
    %scan3A_19 = arith.addi %scan3A_17, %scan3A_18 : i32
    %scan3A_20 = arith.constant 1 : i32
    scf.for %scan3A_44 = %scan3A_17 to %scan3A_19 step %scan3A_20  : i32 {
      %mul3A_45 = arith.constant 200 : i32
      %mul3A_46 = arith.muli %scan3A_44, %mul3A_45 : i32
      %broadcast_in_dim3A = arith.constant 0.000000e+00 : f32
      %broadcast_in_dim3A_47 = vector.broadcast %broadcast_in_dim3A : f32 to vector<16xf32>
      %broadcast_in_dim3A_48 = arith.constant 0.000000e+00 : f32
      %broadcast_in_dim3A_49 = vector.broadcast %broadcast_in_dim3A_48 : f32 to vector<16xf32>
      %add3A_50 = arith.constant 0 : i32
      %add3A_51 = arith.addi %mul3A_46, %add3A_50 : i32
      %get3A = arith.index_cast %add3A_51 : i32 to index
      %get3A_52 = tpu.vector_load %arg7[%get3A] {strides = array<i32>} : memref<6416xi32, #tpu.memory_space<vmem>>, vector<16xi32>,
      %gt3A = arith.constant 0 : i32
      %gt3A_53 = vector.broadcast %gt3A : i32 to vector<16xi32>
      %gt3A_54 = arith.cmpi sgt, %get3A_52, %gt3A_53 : vector<16xi32>
      %jit3A = arith.constant 0 : i32
      %broadcast_in_dim3A_55 = vector.broadcast %jit3A : i32 to vector<16xi32>
      %select_n3A = arith.select %gt3A_54, %get3A_52, %broadcast_in_dim3A_55 : vector<16xi1>, vector<16xi32>
      %gather3A = tpu.vector_load_idx %arg6[%select_n3A] : memref<100000xf32, #tpu.memory_space<vmem>>[vector<16xi32>], vector<16xf32>,
      %jit3A_56 = arith.constant 0.000000e+00 : f32
      %broadcast_in_dim3A_57 = vector.broadcast %jit3A_56 : f32 to vector<16xf32>
      %select_n3A_58 = arith.select %gt3A_54, %gather3A, %broadcast_in_dim3A_57 : vector<16xi1>, vector<16xf32>
      %add3A_59 = arith.addf %broadcast_in_dim3A_47, %select_n3A_58 : vector<16xf32>
      %jit3A_60 = arith.constant 1.000000e+00 : f32
      %jit3A_61 = arith.constant 0.000000e+00 : f32
      %broadcast_in_dim3A_62 = vector.broadcast %jit3A_60 : f32 to vector<16xf32>
      %broadcast_in_dim3A_63 = vector.broadcast %jit3A_61 : f32 to vector<16xf32>
      %select_n3A_64 = arith.select %gt3A_54, %broadcast_in_dim3A_62, %broadcast_in_dim3A_63 : vector<16xi1>, vector<16xf32>
      %add3A_65 = arith.addf %broadcast_in_dim3A_49, %select_n3A_64 : vector<16xf32>
      %add3A_66 = arith.constant 16 : i32
      %add3A_67 = arith.addi %mul3A_46, %add3A_66 : i32
      %get3A_68 = arith.index_cast %add3A_67 : i32 to index
      %get3A_69 = tpu.vector_load %arg7[%get3A_68] {strides = array<i32>} : memref<6416xi32, #tpu.memory_space<vmem>>, vector<16xi32>,
      %gt3A_70 = arith.constant 0 : i32
      %gt3A_71 = vector.broadcast %gt3A_70 : i32 to vector<16xi32>
      %gt3A_72 = arith.cmpi sgt, %get3A_69, %gt3A_71 : vector<16xi32>
      %jit3A_73 = arith.constant 0 : i32
      %broadcast_in_dim3A_74 = vector.broadcast %jit3A_73 : i32 to vector<16xi32>
      %select_n3A_75 = arith.select %gt3A_72, %get3A_69, %broadcast_in_dim3A_74 : vector<16xi1>, vector<16xi32>
      %gather3A_76 = tpu.vector_load_idx %arg6[%select_n3A_75] : memref<100000xf32, #tpu.memory_space<vmem>>[vector<16xi32>], vector<16xf32>,
      %jit3A_77 = arith.constant 0.000000e+00 : f32
      %broadcast_in_dim3A_78 = vector.broadcast %jit3A_77 : f32 to vector<16xf32>
      %select_n3A_79 = arith.select %gt3A_72, %gather3A_76, %broadcast_in_dim3A_78 : vector<16xi1>, vector<16xf32>
      %add3A_80 = arith.addf %add3A_59, %select_n3A_79 : vector<16xf32>
      %jit3A_81 = arith.constant 1.000000e+00 : f32
      %jit3A_82 = arith.constant 0.000000e+00 : f32
      %broadcast_in_dim3A_83 = vector.broadcast %jit3A_81 : f32 to vector<16xf32>
      %broadcast_in_dim3A_84 = vector.broadcast %jit3A_82 : f32 to vector<16xf32>
      %select_n3A_85 = arith.select %gt3A_72, %broadcast_in_dim3A_83, %broadcast_in_dim3A_84 : vector<16xi1>, vector<16xf32>
      %add3A_86 = arith.addf %add3A_65, %select_n3A_85 : vector<16xf32>
      %add3A_87 = arith.constant 32 : i32
      %add3A_88 = arith.addi %mul3A_46, %add3A_87 : i32
      %get3A_89 = arith.index_cast %add3A_88 : i32 to index
      %get3A_90 = tpu.vector_load %arg7[%get3A_89] {strides = array<i32>} : memref<6416xi32, #tpu.memory_space<vmem>>, vector<16xi32>,
      %gt3A_91 = arith.constant 0 : i32
      %gt3A_92 = vector.broadcast %gt3A_91 : i32 to vector<16xi32>
      %gt3A_93 = arith.cmpi sgt, %get3A_90, %gt3A_92 : vector<16xi32>
      %jit3A_94 = arith.constant 0 : i32
      %broadcast_in_dim3A_95 = vector.broadcast %jit3A_94 : i32 to vector<16xi32>
      %select_n3A_96 = arith.select %gt3A_93, %get3A_90, %broadcast_in_dim3A_95 : vector<16xi1>, vector<16xi32>
      %gather3A_97 = tpu.vector_load_idx %arg6[%select_n3A_96] : memref<100000xf32, #tpu.memory_space<vmem>>[vector<16xi32>], vector<16xf32>,
      %jit3A_98 = arith.constant 0.000000e+00 : f32
      %broadcast_in_dim3A_99 = vector.broadcast %jit3A_98 : f32 to vector<16xf32>
      %select_n3A_100 = arith.select %gt3A_93, %gather3A_97, %broadcast_in_dim3A_99 : vector<16xi1>, vector<16xf32>
      %add3A_101 = arith.addf %add3A_80, %select_n3A_100 : vector<16xf32>
      %jit3A_102 = arith.constant 1.000000e+00 : f32
      %jit3A_103 = arith.constant 0.000000e+00 : f32
      %broadcast_in_dim3A_104 = vector.broadcast %jit3A_102 : f32 to vector<16xf32>
      %broadcast_in_dim3A_105 = vector.broadcast %jit3A_103 : f32 to vector<16xf32>
      %select_n3A_106 = arith.select %gt3A_93, %broadcast_in_dim3A_104, %broadcast_in_dim3A_105 : vector<16xi1>, vector<16xf32>
      %add3A_107 = arith.addf %add3A_86, %select_n3A_106 : vector<16xf32>
      %add3A_108 = arith.constant 48 : i32
      %add3A_109 = arith.addi %mul3A_46, %add3A_108 : i32
      %get3A_110 = arith.index_cast %add3A_109 : i32 to index
      %get3A_111 = tpu.vector_load %arg7[%get3A_110] {strides = array<i32>} : memref<6416xi32, #tpu.memory_space<vmem>>, vector<16xi32>,
      %gt3A_112 = arith.constant 0 : i32
      %gt3A_113 = vector.broadcast %gt3A_112 : i32 to vector<16xi32>
      %gt3A_114 = arith.cmpi sgt, %get3A_111, %gt3A_113 : vector<16xi32>
      %jit3A_115 = arith.constant 0 : i32
      %broadcast_in_dim3A_116 = vector.broadcast %jit3A_115 : i32 to vector<16xi32>
      %select_n3A_117 = arith.select %gt3A_114, %get3A_111, %broadcast_in_dim3A_116 : vector<16xi1>, vector<16xi32>
      %gather3A_118 = tpu.vector_load_idx %arg6[%select_n3A_117] : memref<100000xf32, #tpu.memory_space<vmem>>[vector<16xi32>], vector<16xf32>,
      %jit3A_119 = arith.constant 0.000000e+00 : f32
      %broadcast_in_dim3A_120 = vector.broadcast %jit3A_119 : f32 to vector<16xf32>
      %select_n3A_121 = arith.select %gt3A_114, %gather3A_118, %broadcast_in_dim3A_120 : vector<16xi1>, vector<16xf32>
      %add3A_122 = arith.addf %add3A_101, %select_n3A_121 : vector<16xf32>
      %jit3A_123 = arith.constant 1.000000e+00 : f32
      %jit3A_124 = arith.constant 0.000000e+00 : f32
      %broadcast_in_dim3A_125 = vector.broadcast %jit3A_123 : f32 to vector<16xf32>
      %broadcast_in_dim3A_126 = vector.broadcast %jit3A_124 : f32 to vector<16xf32>
      %select_n3A_127 = arith.select %gt3A_114, %broadcast_in_dim3A_125, %broadcast_in_dim3A_126 : vector<16xi1>, vector<16xf32>
      %add3A_128 = arith.addf %add3A_107, %select_n3A_127 : vector<16xf32>
      %add3A_129 = arith.constant 64 : i32
      %add3A_130 = arith.addi %mul3A_46, %add3A_129 : i32
      %get3A_131 = arith.index_cast %add3A_130 : i32 to index
      %get3A_132 = tpu.vector_load %arg7[%get3A_131] {strides = array<i32>} : memref<6416xi32, #tpu.memory_space<vmem>>, vector<16xi32>,
      %gt3A_133 = arith.constant 0 : i32
      %gt3A_134 = vector.broadcast %gt3A_133 : i32 to vector<16xi32>
      %gt3A_135 = arith.cmpi sgt, %get3A_132, %gt3A_134 : vector<16xi32>
      %jit3A_136 = arith.constant 0 : i32
      %broadcast_in_dim3A_137 = vector.broadcast %jit3A_136 : i32 to vector<16xi32>
      %select_n3A_138 = arith.select %gt3A_135, %get3A_132, %broadcast_in_dim3A_137 : vector<16xi1>, vector<16xi32>
      %gather3A_139 = tpu.vector_load_idx %arg6[%select_n3A_138] : memref<100000xf32, #tpu.memory_space<vmem>>[vector<16xi32>], vector<16xf32>,
      %jit3A_140 = arith.constant 0.000000e+00 : f32
      %broadcast_in_dim3A_141 = vector.broadcast %jit3A_140 : f32 to vector<16xf32>
      %select_n3A_142 = arith.select %gt3A_135, %gather3A_139, %broadcast_in_dim3A_141 : vector<16xi1>, vector<16xf32>
      %add3A_143 = arith.addf %add3A_122, %select_n3A_142 : vector<16xf32>
      %jit3A_144 = arith.constant 1.000000e+00 : f32
      %jit3A_145 = arith.constant 0.000000e+00 : f32
      %broadcast_in_dim3A_146 = vector.broadcast %jit3A_144 : f32 to vector<16xf32>
      %broadcast_in_dim3A_147 = vector.broadcast %jit3A_145 : f32 to vector<16xf32>
      %select_n3A_148 = arith.select %gt3A_135, %broadcast_in_dim3A_146, %broadcast_in_dim3A_147 : vector<16xi1>, vector<16xf32>
      %add3A_149 = arith.addf %add3A_128, %select_n3A_148 : vector<16xf32>
      %add3A_150 = arith.constant 80 : i32
      %add3A_151 = arith.addi %mul3A_46, %add3A_150 : i32
      %get3A_152 = arith.index_cast %add3A_151 : i32 to index
      %get3A_153 = tpu.vector_load %arg7[%get3A_152] {strides = array<i32>} : memref<6416xi32, #tpu.memory_space<vmem>>, vector<16xi32>,
      %gt3A_154 = arith.constant 0 : i32
      %gt3A_155 = vector.broadcast %gt3A_154 : i32 to vector<16xi32>
      %gt3A_156 = arith.cmpi sgt, %get3A_153, %gt3A_155 : vector<16xi32>
      %jit3A_157 = arith.constant 0 : i32
      %broadcast_in_dim3A_158 = vector.broadcast %jit3A_157 : i32 to vector<16xi32>
      %select_n3A_159 = arith.select %gt3A_156, %get3A_153, %broadcast_in_dim3A_158 : vector<16xi1>, vector<16xi32>
      %gather3A_160 = tpu.vector_load_idx %arg6[%select_n3A_159] : memref<100000xf32, #tpu.memory_space<vmem>>[vector<16xi32>], vector<16xf32>,
      %jit3A_161 = arith.constant 0.000000e+00 : f32
      %broadcast_in_dim3A_162 = vector.broadcast %jit3A_161 : f32 to vector<16xf32>
      %select_n3A_163 = arith.select %gt3A_156, %gather3A_160, %broadcast_in_dim3A_162 : vector<16xi1>, vector<16xf32>
      %add3A_164 = arith.addf %add3A_143, %select_n3A_163 : vector<16xf32>
      %jit3A_165 = arith.constant 1.000000e+00 : f32
      %jit3A_166 = arith.constant 0.000000e+00 : f32
      %broadcast_in_dim3A_167 = vector.broadcast %jit3A_165 : f32 to vector<16xf32>
      %broadcast_in_dim3A_168 = vector.broadcast %jit3A_166 : f32 to vector<16xf32>
      %select_n3A_169 = arith.select %gt3A_156, %broadcast_in_dim3A_167, %broadcast_in_dim3A_168 : vector<16xi1>, vector<16xf32>
      %add3A_170 = arith.addf %add3A_149, %select_n3A_169 : vector<16xf32>
      %add3A_171 = arith.constant 96 : i32
      %add3A_172 = arith.addi %mul3A_46, %add3A_171 : i32
      %get3A_173 = arith.index_cast %add3A_172 : i32 to index
      %get3A_174 = tpu.vector_load %arg7[%get3A_173] {strides = array<i32>} : memref<6416xi32, #tpu.memory_space<vmem>>, vector<16xi32>,
      %gt3A_175 = arith.constant 0 : i32
      %gt3A_176 = vector.broadcast %gt3A_175 : i32 to vector<16xi32>
      %gt3A_177 = arith.cmpi sgt, %get3A_174, %gt3A_176 : vector<16xi32>
      %jit3A_178 = arith.constant 0 : i32
      %broadcast_in_dim3A_179 = vector.broadcast %jit3A_178 : i32 to vector<16xi32>
      %select_n3A_180 = arith.select %gt3A_177, %get3A_174, %broadcast_in_dim3A_179 : vector<16xi1>, vector<16xi32>
      %gather3A_181 = tpu.vector_load_idx %arg6[%select_n3A_180] : memref<100000xf32, #tpu.memory_space<vmem>>[vector<16xi32>], vector<16xf32>,
      %jit3A_182 = arith.constant 0.000000e+00 : f32
      %broadcast_in_dim3A_183 = vector.broadcast %jit3A_182 : f32 to vector<16xf32>
      %select_n3A_184 = arith.select %gt3A_177, %gather3A_181, %broadcast_in_dim3A_183 : vector<16xi1>, vector<16xf32>
      %add3A_185 = arith.addf %add3A_164, %select_n3A_184 : vector<16xf32>
      %jit3A_186 = arith.constant 1.000000e+00 : f32
      %jit3A_187 = arith.constant 0.000000e+00 : f32
      %broadcast_in_dim3A_188 = vector.broadcast %jit3A_186 : f32 to vector<16xf32>
      %broadcast_in_dim3A_189 = vector.broadcast %jit3A_187 : f32 to vector<16xf32>
      %select_n3A_190 = arith.select %gt3A_177, %broadcast_in_dim3A_188, %broadcast_in_dim3A_189 : vector<16xi1>, vector<16xf32>
      %add3A_191 = arith.addf %add3A_170, %select_n3A_190 : vector<16xf32>
      %add3A_192 = arith.constant 112 : i32
      %add3A_193 = arith.addi %mul3A_46, %add3A_192 : i32
      %get3A_194 = arith.index_cast %add3A_193 : i32 to index
      %get3A_195 = tpu.vector_load %arg7[%get3A_194] {strides = array<i32>} : memref<6416xi32, #tpu.memory_space<vmem>>, vector<16xi32>,
      %gt3A_196 = arith.constant 0 : i32
      %gt3A_197 = vector.broadcast %gt3A_196 : i32 to vector<16xi32>
      %gt3A_198 = arith.cmpi sgt, %get3A_195, %gt3A_197 : vector<16xi32>
      %jit3A_199 = arith.constant 0 : i32
      %broadcast_in_dim3A_200 = vector.broadcast %jit3A_199 : i32 to vector<16xi32>
      %select_n3A_201 = arith.select %gt3A_198, %get3A_195, %broadcast_in_dim3A_200 : vector<16xi1>, vector<16xi32>
      %gather3A_202 = tpu.vector_load_idx %arg6[%select_n3A_201] : memref<100000xf32, #tpu.memory_space<vmem>>[vector<16xi32>], vector<16xf32>,
      %jit3A_203 = arith.constant 0.000000e+00 : f32
      %broadcast_in_dim3A_204 = vector.broadcast %jit3A_203 : f32 to vector<16xf32>
      %select_n3A_205 = arith.select %gt3A_198, %gather3A_202, %broadcast_in_dim3A_204 : vector<16xi1>, vector<16xf32>
      %add3A_206 = arith.addf %add3A_185, %select_n3A_205 : vector<16xf32>
      %jit3A_207 = arith.constant 1.000000e+00 : f32
      %jit3A_208 = arith.constant 0.000000e+00 : f32
      %broadcast_in_dim3A_209 = vector.broadcast %jit3A_207 : f32 to vector<16xf32>
      %broadcast_in_dim3A_210 = vector.broadcast %jit3A_208 : f32 to vector<16xf32>
      %select_n3A_211 = arith.select %gt3A_198, %broadcast_in_dim3A_209, %broadcast_in_dim3A_210 : vector<16xi1>, vector<16xf32>
      %add3A_212 = arith.addf %add3A_191, %select_n3A_211 : vector<16xf32>
      %add3A_213 = arith.constant 128 : i32
      %add3A_214 = arith.addi %mul3A_46, %add3A_213 : i32
      %get3A_215 = arith.index_cast %add3A_214 : i32 to index
      %get3A_216 = tpu.vector_load %arg7[%get3A_215] {strides = array<i32>} : memref<6416xi32, #tpu.memory_space<vmem>>, vector<16xi32>,
      %gt3A_217 = arith.constant 0 : i32
      %gt3A_218 = vector.broadcast %gt3A_217 : i32 to vector<16xi32>
      %gt3A_219 = arith.cmpi sgt, %get3A_216, %gt3A_218 : vector<16xi32>
      %jit3A_220 = arith.constant 0 : i32
      %broadcast_in_dim3A_221 = vector.broadcast %jit3A_220 : i32 to vector<16xi32>
      %select_n3A_222 = arith.select %gt3A_219, %get3A_216, %broadcast_in_dim3A_221 : vector<16xi1>, vector<16xi32>
      %gather3A_223 = tpu.vector_load_idx %arg6[%select_n3A_222] : memref<100000xf32, #tpu.memory_space<vmem>>[vector<16xi32>], vector<16xf32>,
      %jit3A_224 = arith.constant 0.000000e+00 : f32
      %broadcast_in_dim3A_225 = vector.broadcast %jit3A_224 : f32 to vector<16xf32>
      %select_n3A_226 = arith.select %gt3A_219, %gather3A_223, %broadcast_in_dim3A_225 : vector<16xi1>, vector<16xf32>
      %add3A_227 = arith.addf %add3A_206, %select_n3A_226 : vector<16xf32>
      %jit3A_228 = arith.constant 1.000000e+00 : f32
      %jit3A_229 = arith.constant 0.000000e+00 : f32
      %broadcast_in_dim3A_230 = vector.broadcast %jit3A_228 : f32 to vector<16xf32>
      %broadcast_in_dim3A_231 = vector.broadcast %jit3A_229 : f32 to vector<16xf32>
      %select_n3A_232 = arith.select %gt3A_219, %broadcast_in_dim3A_230, %broadcast_in_dim3A_231 : vector<16xi1>, vector<16xf32>
      %add3A_233 = arith.addf %add3A_212, %select_n3A_232 : vector<16xf32>
      %add3A_234 = arith.constant 144 : i32
      %add3A_235 = arith.addi %mul3A_46, %add3A_234 : i32
      %get3A_236 = arith.index_cast %add3A_235 : i32 to index
      %get3A_237 = tpu.vector_load %arg7[%get3A_236] {strides = array<i32>} : memref<6416xi32, #tpu.memory_space<vmem>>, vector<16xi32>,
      %gt3A_238 = arith.constant 0 : i32
      %gt3A_239 = vector.broadcast %gt3A_238 : i32 to vector<16xi32>
      %gt3A_240 = arith.cmpi sgt, %get3A_237, %gt3A_239 : vector<16xi32>
      %jit3A_241 = arith.constant 0 : i32
      %broadcast_in_dim3A_242 = vector.broadcast %jit3A_241 : i32 to vector<16xi32>
      %select_n3A_243 = arith.select %gt3A_240, %get3A_237, %broadcast_in_dim3A_242 : vector<16xi1>, vector<16xi32>
      %gather3A_244 = tpu.vector_load_idx %arg6[%select_n3A_243] : memref<100000xf32, #tpu.memory_space<vmem>>[vector<16xi32>], vector<16xf32>,
      %jit3A_245 = arith.constant 0.000000e+00 : f32
      %broadcast_in_dim3A_246 = vector.broadcast %jit3A_245 : f32 to vector<16xf32>
      %select_n3A_247 = arith.select %gt3A_240, %gather3A_244, %broadcast_in_dim3A_246 : vector<16xi1>, vector<16xf32>
      %add3A_248 = arith.addf %add3A_227, %select_n3A_247 : vector<16xf32>
      %jit3A_249 = arith.constant 1.000000e+00 : f32
      %jit3A_250 = arith.constant 0.000000e+00 : f32
      %broadcast_in_dim3A_251 = vector.broadcast %jit3A_249 : f32 to vector<16xf32>
      %broadcast_in_dim3A_252 = vector.broadcast %jit3A_250 : f32 to vector<16xf32>
      %select_n3A_253 = arith.select %gt3A_240, %broadcast_in_dim3A_251, %broadcast_in_dim3A_252 : vector<16xi1>, vector<16xf32>
      %add3A_254 = arith.addf %add3A_233, %select_n3A_253 : vector<16xf32>
      %add3A_255 = arith.constant 160 : i32
      %add3A_256 = arith.addi %mul3A_46, %add3A_255 : i32
      %get3A_257 = arith.index_cast %add3A_256 : i32 to index
      %get3A_258 = tpu.vector_load %arg7[%get3A_257] {strides = array<i32>} : memref<6416xi32, #tpu.memory_space<vmem>>, vector<16xi32>,
      %gt3A_259 = arith.constant 0 : i32
      %gt3A_260 = vector.broadcast %gt3A_259 : i32 to vector<16xi32>
      %gt3A_261 = arith.cmpi sgt, %get3A_258, %gt3A_260 : vector<16xi32>
      %jit3A_262 = arith.constant 0 : i32
      %broadcast_in_dim3A_263 = vector.broadcast %jit3A_262 : i32 to vector<16xi32>
      %select_n3A_264 = arith.select %gt3A_261, %get3A_258, %broadcast_in_dim3A_263 : vector<16xi1>, vector<16xi32>
      %gather3A_265 = tpu.vector_load_idx %arg6[%select_n3A_264] : memref<100000xf32, #tpu.memory_space<vmem>>[vector<16xi32>], vector<16xf32>,
      %jit3A_266 = arith.constant 0.000000e+00 : f32
      %broadcast_in_dim3A_267 = vector.broadcast %jit3A_266 : f32 to vector<16xf32>
      %select_n3A_268 = arith.select %gt3A_261, %gather3A_265, %broadcast_in_dim3A_267 : vector<16xi1>, vector<16xf32>
      %add3A_269 = arith.addf %add3A_248, %select_n3A_268 : vector<16xf32>
      %jit3A_270 = arith.constant 1.000000e+00 : f32
      %jit3A_271 = arith.constant 0.000000e+00 : f32
      %broadcast_in_dim3A_272 = vector.broadcast %jit3A_270 : f32 to vector<16xf32>
      %broadcast_in_dim3A_273 = vector.broadcast %jit3A_271 : f32 to vector<16xf32>
      %select_n3A_274 = arith.select %gt3A_261, %broadcast_in_dim3A_272, %broadcast_in_dim3A_273 : vector<16xi1>, vector<16xf32>
      %add3A_275 = arith.addf %add3A_254, %select_n3A_274 : vector<16xf32>
      %add3A_276 = arith.constant 176 : i32
      %add3A_277 = arith.addi %mul3A_46, %add3A_276 : i32
      %get3A_278 = arith.index_cast %add3A_277 : i32 to index
      %get3A_279 = tpu.vector_load %arg7[%get3A_278] {strides = array<i32>} : memref<6416xi32, #tpu.memory_space<vmem>>, vector<16xi32>,
      %gt3A_280 = arith.constant 0 : i32
      %gt3A_281 = vector.broadcast %gt3A_280 : i32 to vector<16xi32>
      %gt3A_282 = arith.cmpi sgt, %get3A_279, %gt3A_281 : vector<16xi32>
      %jit3A_283 = arith.constant 0 : i32
      %broadcast_in_dim3A_284 = vector.broadcast %jit3A_283 : i32 to vector<16xi32>
      %select_n3A_285 = arith.select %gt3A_282, %get3A_279, %broadcast_in_dim3A_284 : vector<16xi1>, vector<16xi32>
      %gather3A_286 = tpu.vector_load_idx %arg6[%select_n3A_285] : memref<100000xf32, #tpu.memory_space<vmem>>[vector<16xi32>], vector<16xf32>,
      %jit3A_287 = arith.constant 0.000000e+00 : f32
      %broadcast_in_dim3A_288 = vector.broadcast %jit3A_287 : f32 to vector<16xf32>
      %select_n3A_289 = arith.select %gt3A_282, %gather3A_286, %broadcast_in_dim3A_288 : vector<16xi1>, vector<16xf32>
      %add3A_290 = arith.addf %add3A_269, %select_n3A_289 : vector<16xf32>
      %jit3A_291 = arith.constant 1.000000e+00 : f32
      %jit3A_292 = arith.constant 0.000000e+00 : f32
      %broadcast_in_dim3A_293 = vector.broadcast %jit3A_291 : f32 to vector<16xf32>
      %broadcast_in_dim3A_294 = vector.broadcast %jit3A_292 : f32 to vector<16xf32>
      %select_n3A_295 = arith.select %gt3A_282, %broadcast_in_dim3A_293, %broadcast_in_dim3A_294 : vector<16xi1>, vector<16xf32>
      %add3A_296 = arith.addf %add3A_275, %select_n3A_295 : vector<16xf32>
      %add3A_297 = arith.constant 192 : i32
      %add3A_298 = arith.addi %mul3A_46, %add3A_297 : i32
      %get3A_299 = arith.index_cast %add3A_298 : i32 to index
      %get3A_300 = tpu.vector_load %arg7[%get3A_299] {strides = array<i32>} : memref<6416xi32, #tpu.memory_space<vmem>>, vector<16xi32>,
      %gt3A_301 = arith.constant 0 : i32
      %gt3A_302 = vector.broadcast %gt3A_301 : i32 to vector<16xi32>
      %gt3A_303 = arith.cmpi sgt, %get3A_300, %gt3A_302 : vector<16xi32>
      %and3A = arith.andi %gt3A_303, %lt3A_2 : vector<16xi1>
      %jit3A_304 = arith.constant 0 : i32
      %broadcast_in_dim3A_305 = vector.broadcast %jit3A_304 : i32 to vector<16xi32>
      %select_n3A_306 = arith.select %and3A, %get3A_300, %broadcast_in_dim3A_305 : vector<16xi1>, vector<16xi32>
      %gather3A_307 = tpu.vector_load_idx %arg6[%select_n3A_306] : memref<100000xf32, #tpu.memory_space<vmem>>[vector<16xi32>], vector<16xf32>,
      %jit3A_308 = arith.constant 0.000000e+00 : f32
      %broadcast_in_dim3A_309 = vector.broadcast %jit3A_308 : f32 to vector<16xf32>
      %select_n3A_310 = arith.select %and3A, %gather3A_307, %broadcast_in_dim3A_309 : vector<16xi1>, vector<16xf32>
      %add3A_311 = arith.addf %add3A_290, %select_n3A_310 : vector<16xf32>
      %jit3A_312 = arith.constant 1.000000e+00 : f32
      %jit3A_313 = arith.constant 0.000000e+00 : f32
      %broadcast_in_dim3A_314 = vector.broadcast %jit3A_312 : f32 to vector<16xf32>
      %broadcast_in_dim3A_315 = vector.broadcast %jit3A_313 : f32 to vector<16xf32>
      %select_n3A_316 = arith.select %and3A, %broadcast_in_dim3A_314, %broadcast_in_dim3A_315 : vector<16xi1>, vector<16xf32>
      %add3A_317 = arith.addf %add3A_296, %select_n3A_316 : vector<16xf32>
      %add3A_318 = arith.constant 32 : i32
      %add3A_319 = arith.addi %add3A_318, %scan3A_44 : i32
      %mul3A_320 = arith.constant 16 : i32
      %mul3A_321 = arith.muli %add3A_319, %mul3A_320 : i32
      %swap3A = arith.index_cast %mul3A_321 : i32 to index
      %swap3A_322 = tpu.vector_load %arg8[%swap3A] {strides = array<i32>} : memref<2048xf32, #tpu.memory_space<vmem>>, vector<16xf32>,
      tpu.vector_store %arg8[%swap3A], %add3A_311 {strides = array<i32>} : memref<2048xf32, #tpu.memory_space<vmem>>, vector<16xf32>,
      %swap3A_323 = arith.index_cast %mul3A_321 : i32 to index
      %swap3A_324 = tpu.vector_load %arg9[%swap3A_323] {strides = array<i32>} : memref<2048xf32, #tpu.memory_space<vmem>>, vector<16xf32>,
      tpu.vector_store %arg9[%swap3A_323], %add3A_317 {strides = array<i32>} : memref<2048xf32, #tpu.memory_space<vmem>>, vector<16xf32>,
    }
    %scan3A_21 = arith.constant 32 : i32
    %mul3A_22 = arith.constant 25600 : i32
    %mul3A_23 = arith.muli %add3A, %mul3A_22 : i32
    %add3A_24 = arith.constant 12800 : i32
    %add3A_25 = arith.addi %mul3A_23, %add3A_24 : i32
    "tpu.region"() ({
      %run_scoped3A = tpu.sem_alloc : memref<!tpu.dma_semaphore, #tpu.memory_space<semaphore_mem>>
      %dma_start3A = arith.constant 0 : i32
      %dma_start3A_44 = tpu.memref_slice %arg7[%dma_start3A] : memref<6416xi32, #tpu.memory_space<vmem>> -> memref<6400xi32, #tpu.memory_space<vmem>>
      %dma_start3A_45 = tpu.memref_slice %arg3[%add3A_25] : memref<819200xi32, #tpu.memory_space<hbm>> -> memref<6400xi32, #tpu.memory_space<hbm>>
      %dma_start3A_46 = arith.constant 0 : i32
      %dma_start3A_47 = tpu.memref_slice %arg7[%dma_start3A_46] : memref<6416xi32, #tpu.memory_space<vmem>> -> memref<6400xi32, #tpu.memory_space<vmem>>
      %dma_start3A_48 = tpu.memref_slice %arg3[%add3A_25] : memref<819200xi32, #tpu.memory_space<hbm>> -> memref<6400xi32, #tpu.memory_space<hbm>>
      tpu.enqueue_dma source(%dma_start3A_48 : memref<6400xi32, #tpu.memory_space<hbm>>) target(%dma_start3A_47 : memref<6400xi32, #tpu.memory_space<vmem>>) target_semaphore(%run_scoped3A : memref<!tpu.dma_semaphore, #tpu.memory_space<semaphore_mem>>)
      %dma_wait3A = arith.constant 0 : i32
      %dma_wait3A_49 = tpu.memref_slice %arg7[%dma_wait3A] : memref<6416xi32, #tpu.memory_space<vmem>> -> memref<6400xi32, #tpu.memory_space<vmem>>
      %dma_wait3A_50 = tpu.memref_slice %arg3[%add3A_25] : memref<819200xi32, #tpu.memory_space<hbm>> -> memref<6400xi32, #tpu.memory_space<hbm>>
      %dma_wait3A_51 = arith.constant 0 : i32
      %dma_wait3A_52 = tpu.memref_slice %arg7[%dma_wait3A_51] : memref<6416xi32, #tpu.memory_space<vmem>> -> memref<6400xi32, #tpu.memory_space<vmem>>
      %dma_wait3A_53 = tpu.memref_slice %arg3[%add3A_25] : memref<819200xi32, #tpu.memory_space<hbm>> -> memref<6400xi32, #tpu.memory_space<hbm>>
      tpu.wait_dma2 semaphore(%run_scoped3A : memref<!tpu.dma_semaphore, #tpu.memory_space<semaphore_mem>>) src(%dma_wait3A_53 : memref<6400xi32, #tpu.memory_space<hbm>>) dst(%dma_wait3A_52 : memref<6400xi32, #tpu.memory_space<vmem>>)
      tpu.yield
    }) : () -> ()
    %scan3A_26 = arith.constant 0 : i32
    %scan3A_27 = arith.constant 0 : i32
    %scan3A_28 = arith.constant 32 : i32
    %scan3A_29 = arith.addi %scan3A_27, %scan3A_28 : i32
    %scan3A_30 = arith.constant 1 : i32
    scf.for %scan3A_44 = %scan3A_27 to %scan3A_29 step %scan3A_30  : i32 {
      %mul3A_45 = arith.constant 200 : i32
      %mul3A_46 = arith.muli %scan3A_44, %mul3A_45 : i32
      %broadcast_in_dim3A = arith.constant 0.000000e+00 : f32
      %broadcast_in_dim3A_47 = vector.broadcast %broadcast_in_dim3A : f32 to vector<16xf32>
      %broadcast_in_dim3A_48 = arith.constant 0.000000e+00 : f32
      %broadcast_in_dim3A_49 = vector.broadcast %broadcast_in_dim3A_48 : f32 to vector<16xf32>
      %add3A_50 = arith.constant 0 : i32
      %add3A_51 = arith.addi %mul3A_46, %add3A_50 : i32
      %get3A = arith.index_cast %add3A_51 : i32 to index
      %get3A_52 = tpu.vector_load %arg7[%get3A] {strides = array<i32>} : memref<6416xi32, #tpu.memory_space<vmem>>, vector<16xi32>,
      %gt3A = arith.constant 0 : i32
      %gt3A_53 = vector.broadcast %gt3A : i32 to vector<16xi32>
      %gt3A_54 = arith.cmpi sgt, %get3A_52, %gt3A_53 : vector<16xi32>
      %jit3A = arith.constant 0 : i32
      %broadcast_in_dim3A_55 = vector.broadcast %jit3A : i32 to vector<16xi32>
      %select_n3A = arith.select %gt3A_54, %get3A_52, %broadcast_in_dim3A_55 : vector<16xi1>, vector<16xi32>
      %gather3A = tpu.vector_load_idx %arg6[%select_n3A] : memref<100000xf32, #tpu.memory_space<vmem>>[vector<16xi32>], vector<16xf32>,
      %jit3A_56 = arith.constant 0.000000e+00 : f32
      %broadcast_in_dim3A_57 = vector.broadcast %jit3A_56 : f32 to vector<16xf32>
      %select_n3A_58 = arith.select %gt3A_54, %gather3A, %broadcast_in_dim3A_57 : vector<16xi1>, vector<16xf32>
      %add3A_59 = arith.addf %broadcast_in_dim3A_47, %select_n3A_58 : vector<16xf32>
      %jit3A_60 = arith.constant 1.000000e+00 : f32
      %jit3A_61 = arith.constant 0.000000e+00 : f32
      %broadcast_in_dim3A_62 = vector.broadcast %jit3A_60 : f32 to vector<16xf32>
      %broadcast_in_dim3A_63 = vector.broadcast %jit3A_61 : f32 to vector<16xf32>
      %select_n3A_64 = arith.select %gt3A_54, %broadcast_in_dim3A_62, %broadcast_in_dim3A_63 : vector<16xi1>, vector<16xf32>
      %add3A_65 = arith.addf %broadcast_in_dim3A_49, %select_n3A_64 : vector<16xf32>
      %add3A_66 = arith.constant 16 : i32
      %add3A_67 = arith.addi %mul3A_46, %add3A_66 : i32
      %get3A_68 = arith.index_cast %add3A_67 : i32 to index
      %get3A_69 = tpu.vector_load %arg7[%get3A_68] {strides = array<i32>} : memref<6416xi32, #tpu.memory_space<vmem>>, vector<16xi32>,
      %gt3A_70 = arith.constant 0 : i32
      %gt3A_71 = vector.broadcast %gt3A_70 : i32 to vector<16xi32>
      %gt3A_72 = arith.cmpi sgt, %get3A_69, %gt3A_71 : vector<16xi32>
      %jit3A_73 = arith.constant 0 : i32
      %broadcast_in_dim3A_74 = vector.broadcast %jit3A_73 : i32 to vector<16xi32>
      %select_n3A_75 = arith.select %gt3A_72, %get3A_69, %broadcast_in_dim3A_74 : vector<16xi1>, vector<16xi32>
      %gather3A_76 = tpu.vector_load_idx %arg6[%select_n3A_75] : memref<100000xf32, #tpu.memory_space<vmem>>[vector<16xi32>], vector<16xf32>,
      %jit3A_77 = arith.constant 0.000000e+00 : f32
      %broadcast_in_dim3A_78 = vector.broadcast %jit3A_77 : f32 to vector<16xf32>
      %select_n3A_79 = arith.select %gt3A_72, %gather3A_76, %broadcast_in_dim3A_78 : vector<16xi1>, vector<16xf32>
      %add3A_80 = arith.addf %add3A_59, %select_n3A_79 : vector<16xf32>
      %jit3A_81 = arith.constant 1.000000e+00 : f32
      %jit3A_82 = arith.constant 0.000000e+00 : f32
      %broadcast_in_dim3A_83 = vector.broadcast %jit3A_81 : f32 to vector<16xf32>
      %broadcast_in_dim3A_84 = vector.broadcast %jit3A_82 : f32 to vector<16xf32>
      %select_n3A_85 = arith.select %gt3A_72, %broadcast_in_dim3A_83, %broadcast_in_dim3A_84 : vector<16xi1>, vector<16xf32>
      %add3A_86 = arith.addf %add3A_65, %select_n3A_85 : vector<16xf32>
      %add3A_87 = arith.constant 32 : i32
      %add3A_88 = arith.addi %mul3A_46, %add3A_87 : i32
      %get3A_89 = arith.index_cast %add3A_88 : i32 to index
      %get3A_90 = tpu.vector_load %arg7[%get3A_89] {strides = array<i32>} : memref<6416xi32, #tpu.memory_space<vmem>>, vector<16xi32>,
      %gt3A_91 = arith.constant 0 : i32
      %gt3A_92 = vector.broadcast %gt3A_91 : i32 to vector<16xi32>
      %gt3A_93 = arith.cmpi sgt, %get3A_90, %gt3A_92 : vector<16xi32>
      %jit3A_94 = arith.constant 0 : i32
      %broadcast_in_dim3A_95 = vector.broadcast %jit3A_94 : i32 to vector<16xi32>
      %select_n3A_96 = arith.select %gt3A_93, %get3A_90, %broadcast_in_dim3A_95 : vector<16xi1>, vector<16xi32>
      %gather3A_97 = tpu.vector_load_idx %arg6[%select_n3A_96] : memref<100000xf32, #tpu.memory_space<vmem>>[vector<16xi32>], vector<16xf32>,
      %jit3A_98 = arith.constant 0.000000e+00 : f32
      %broadcast_in_dim3A_99 = vector.broadcast %jit3A_98 : f32 to vector<16xf32>
      %select_n3A_100 = arith.select %gt3A_93, %gather3A_97, %broadcast_in_dim3A_99 : vector<16xi1>, vector<16xf32>
      %add3A_101 = arith.addf %add3A_80, %select_n3A_100 : vector<16xf32>
      %jit3A_102 = arith.constant 1.000000e+00 : f32
      %jit3A_103 = arith.constant 0.000000e+00 : f32
      %broadcast_in_dim3A_104 = vector.broadcast %jit3A_102 : f32 to vector<16xf32>
      %broadcast_in_dim3A_105 = vector.broadcast %jit3A_103 : f32 to vector<16xf32>
      %select_n3A_106 = arith.select %gt3A_93, %broadcast_in_dim3A_104, %broadcast_in_dim3A_105 : vector<16xi1>, vector<16xf32>
      %add3A_107 = arith.addf %add3A_86, %select_n3A_106 : vector<16xf32>
      %add3A_108 = arith.constant 48 : i32
      %add3A_109 = arith.addi %mul3A_46, %add3A_108 : i32
      %get3A_110 = arith.index_cast %add3A_109 : i32 to index
      %get3A_111 = tpu.vector_load %arg7[%get3A_110] {strides = array<i32>} : memref<6416xi32, #tpu.memory_space<vmem>>, vector<16xi32>,
      %gt3A_112 = arith.constant 0 : i32
      %gt3A_113 = vector.broadcast %gt3A_112 : i32 to vector<16xi32>
      %gt3A_114 = arith.cmpi sgt, %get3A_111, %gt3A_113 : vector<16xi32>
      %jit3A_115 = arith.constant 0 : i32
      %broadcast_in_dim3A_116 = vector.broadcast %jit3A_115 : i32 to vector<16xi32>
      %select_n3A_117 = arith.select %gt3A_114, %get3A_111, %broadcast_in_dim3A_116 : vector<16xi1>, vector<16xi32>
      %gather3A_118 = tpu.vector_load_idx %arg6[%select_n3A_117] : memref<100000xf32, #tpu.memory_space<vmem>>[vector<16xi32>], vector<16xf32>,
      %jit3A_119 = arith.constant 0.000000e+00 : f32
      %broadcast_in_dim3A_120 = vector.broadcast %jit3A_119 : f32 to vector<16xf32>
      %select_n3A_121 = arith.select %gt3A_114, %gather3A_118, %broadcast_in_dim3A_120 : vector<16xi1>, vector<16xf32>
      %add3A_122 = arith.addf %add3A_101, %select_n3A_121 : vector<16xf32>
      %jit3A_123 = arith.constant 1.000000e+00 : f32
      %jit3A_124 = arith.constant 0.000000e+00 : f32
      %broadcast_in_dim3A_125 = vector.broadcast %jit3A_123 : f32 to vector<16xf32>
      %broadcast_in_dim3A_126 = vector.broadcast %jit3A_124 : f32 to vector<16xf32>
      %select_n3A_127 = arith.select %gt3A_114, %broadcast_in_dim3A_125, %broadcast_in_dim3A_126 : vector<16xi1>, vector<16xf32>
      %add3A_128 = arith.addf %add3A_107, %select_n3A_127 : vector<16xf32>
      %add3A_129 = arith.constant 64 : i32
      %add3A_130 = arith.addi %mul3A_46, %add3A_129 : i32
      %get3A_131 = arith.index_cast %add3A_130 : i32 to index
      %get3A_132 = tpu.vector_load %arg7[%get3A_131] {strides = array<i32>} : memref<6416xi32, #tpu.memory_space<vmem>>, vector<16xi32>,
      %gt3A_133 = arith.constant 0 : i32
      %gt3A_134 = vector.broadcast %gt3A_133 : i32 to vector<16xi32>
      %gt3A_135 = arith.cmpi sgt, %get3A_132, %gt3A_134 : vector<16xi32>
      %jit3A_136 = arith.constant 0 : i32
      %broadcast_in_dim3A_137 = vector.broadcast %jit3A_136 : i32 to vector<16xi32>
      %select_n3A_138 = arith.select %gt3A_135, %get3A_132, %broadcast_in_dim3A_137 : vector<16xi1>, vector<16xi32>
      %gather3A_139 = tpu.vector_load_idx %arg6[%select_n3A_138] : memref<100000xf32, #tpu.memory_space<vmem>>[vector<16xi32>], vector<16xf32>,
      %jit3A_140 = arith.constant 0.000000e+00 : f32
      %broadcast_in_dim3A_141 = vector.broadcast %jit3A_140 : f32 to vector<16xf32>
      %select_n3A_142 = arith.select %gt3A_135, %gather3A_139, %broadcast_in_dim3A_141 : vector<16xi1>, vector<16xf32>
      %add3A_143 = arith.addf %add3A_122, %select_n3A_142 : vector<16xf32>
      %jit3A_144 = arith.constant 1.000000e+00 : f32
      %jit3A_145 = arith.constant 0.000000e+00 : f32
      %broadcast_in_dim3A_146 = vector.broadcast %jit3A_144 : f32 to vector<16xf32>
      %broadcast_in_dim3A_147 = vector.broadcast %jit3A_145 : f32 to vector<16xf32>
      %select_n3A_148 = arith.select %gt3A_135, %broadcast_in_dim3A_146, %broadcast_in_dim3A_147 : vector<16xi1>, vector<16xf32>
      %add3A_149 = arith.addf %add3A_128, %select_n3A_148 : vector<16xf32>
      %add3A_150 = arith.constant 80 : i32
      %add3A_151 = arith.addi %mul3A_46, %add3A_150 : i32
      %get3A_152 = arith.index_cast %add3A_151 : i32 to index
      %get3A_153 = tpu.vector_load %arg7[%get3A_152] {strides = array<i32>} : memref<6416xi32, #tpu.memory_space<vmem>>, vector<16xi32>,
      %gt3A_154 = arith.constant 0 : i32
      %gt3A_155 = vector.broadcast %gt3A_154 : i32 to vector<16xi32>
      %gt3A_156 = arith.cmpi sgt, %get3A_153, %gt3A_155 : vector<16xi32>
      %jit3A_157 = arith.constant 0 : i32
      %broadcast_in_dim3A_158 = vector.broadcast %jit3A_157 : i32 to vector<16xi32>
      %select_n3A_159 = arith.select %gt3A_156, %get3A_153, %broadcast_in_dim3A_158 : vector<16xi1>, vector<16xi32>
      %gather3A_160 = tpu.vector_load_idx %arg6[%select_n3A_159] : memref<100000xf32, #tpu.memory_space<vmem>>[vector<16xi32>], vector<16xf32>,
      %jit3A_161 = arith.constant 0.000000e+00 : f32
      %broadcast_in_dim3A_162 = vector.broadcast %jit3A_161 : f32 to vector<16xf32>
      %select_n3A_163 = arith.select %gt3A_156, %gather3A_160, %broadcast_in_dim3A_162 : vector<16xi1>, vector<16xf32>
      %add3A_164 = arith.addf %add3A_143, %select_n3A_163 : vector<16xf32>
      %jit3A_165 = arith.constant 1.000000e+00 : f32
      %jit3A_166 = arith.constant 0.000000e+00 : f32
      %broadcast_in_dim3A_167 = vector.broadcast %jit3A_165 : f32 to vector<16xf32>
      %broadcast_in_dim3A_168 = vector.broadcast %jit3A_166 : f32 to vector<16xf32>
      %select_n3A_169 = arith.select %gt3A_156, %broadcast_in_dim3A_167, %broadcast_in_dim3A_168 : vector<16xi1>, vector<16xf32>
      %add3A_170 = arith.addf %add3A_149, %select_n3A_169 : vector<16xf32>
      %add3A_171 = arith.constant 96 : i32
      %add3A_172 = arith.addi %mul3A_46, %add3A_171 : i32
      %get3A_173 = arith.index_cast %add3A_172 : i32 to index
      %get3A_174 = tpu.vector_load %arg7[%get3A_173] {strides = array<i32>} : memref<6416xi32, #tpu.memory_space<vmem>>, vector<16xi32>,
      %gt3A_175 = arith.constant 0 : i32
      %gt3A_176 = vector.broadcast %gt3A_175 : i32 to vector<16xi32>
      %gt3A_177 = arith.cmpi sgt, %get3A_174, %gt3A_176 : vector<16xi32>
      %jit3A_178 = arith.constant 0 : i32
      %broadcast_in_dim3A_179 = vector.broadcast %jit3A_178 : i32 to vector<16xi32>
      %select_n3A_180 = arith.select %gt3A_177, %get3A_174, %broadcast_in_dim3A_179 : vector<16xi1>, vector<16xi32>
      %gather3A_181 = tpu.vector_load_idx %arg6[%select_n3A_180] : memref<100000xf32, #tpu.memory_space<vmem>>[vector<16xi32>], vector<16xf32>,
      %jit3A_182 = arith.constant 0.000000e+00 : f32
      %broadcast_in_dim3A_183 = vector.broadcast %jit3A_182 : f32 to vector<16xf32>
      %select_n3A_184 = arith.select %gt3A_177, %gather3A_181, %broadcast_in_dim3A_183 : vector<16xi1>, vector<16xf32>
      %add3A_185 = arith.addf %add3A_164, %select_n3A_184 : vector<16xf32>
      %jit3A_186 = arith.constant 1.000000e+00 : f32
      %jit3A_187 = arith.constant 0.000000e+00 : f32
      %broadcast_in_dim3A_188 = vector.broadcast %jit3A_186 : f32 to vector<16xf32>
      %broadcast_in_dim3A_189 = vector.broadcast %jit3A_187 : f32 to vector<16xf32>
      %select_n3A_190 = arith.select %gt3A_177, %broadcast_in_dim3A_188, %broadcast_in_dim3A_189 : vector<16xi1>, vector<16xf32>
      %add3A_191 = arith.addf %add3A_170, %select_n3A_190 : vector<16xf32>
      %add3A_192 = arith.constant 112 : i32
      %add3A_193 = arith.addi %mul3A_46, %add3A_192 : i32
      %get3A_194 = arith.index_cast %add3A_193 : i32 to index
      %get3A_195 = tpu.vector_load %arg7[%get3A_194] {strides = array<i32>} : memref<6416xi32, #tpu.memory_space<vmem>>, vector<16xi32>,
      %gt3A_196 = arith.constant 0 : i32
      %gt3A_197 = vector.broadcast %gt3A_196 : i32 to vector<16xi32>
      %gt3A_198 = arith.cmpi sgt, %get3A_195, %gt3A_197 : vector<16xi32>
      %jit3A_199 = arith.constant 0 : i32
      %broadcast_in_dim3A_200 = vector.broadcast %jit3A_199 : i32 to vector<16xi32>
      %select_n3A_201 = arith.select %gt3A_198, %get3A_195, %broadcast_in_dim3A_200 : vector<16xi1>, vector<16xi32>
      %gather3A_202 = tpu.vector_load_idx %arg6[%select_n3A_201] : memref<100000xf32, #tpu.memory_space<vmem>>[vector<16xi32>], vector<16xf32>,
      %jit3A_203 = arith.constant 0.000000e+00 : f32
      %broadcast_in_dim3A_204 = vector.broadcast %jit3A_203 : f32 to vector<16xf32>
      %select_n3A_205 = arith.select %gt3A_198, %gather3A_202, %broadcast_in_dim3A_204 : vector<16xi1>, vector<16xf32>
      %add3A_206 = arith.addf %add3A_185, %select_n3A_205 : vector<16xf32>
      %jit3A_207 = arith.constant 1.000000e+00 : f32
      %jit3A_208 = arith.constant 0.000000e+00 : f32
      %broadcast_in_dim3A_209 = vector.broadcast %jit3A_207 : f32 to vector<16xf32>
      %broadcast_in_dim3A_210 = vector.broadcast %jit3A_208 : f32 to vector<16xf32>
      %select_n3A_211 = arith.select %gt3A_198, %broadcast_in_dim3A_209, %broadcast_in_dim3A_210 : vector<16xi1>, vector<16xf32>
      %add3A_212 = arith.addf %add3A_191, %select_n3A_211 : vector<16xf32>
      %add3A_213 = arith.constant 128 : i32
      %add3A_214 = arith.addi %mul3A_46, %add3A_213 : i32
      %get3A_215 = arith.index_cast %add3A_214 : i32 to index
      %get3A_216 = tpu.vector_load %arg7[%get3A_215] {strides = array<i32>} : memref<6416xi32, #tpu.memory_space<vmem>>, vector<16xi32>,
      %gt3A_217 = arith.constant 0 : i32
      %gt3A_218 = vector.broadcast %gt3A_217 : i32 to vector<16xi32>
      %gt3A_219 = arith.cmpi sgt, %get3A_216, %gt3A_218 : vector<16xi32>
      %jit3A_220 = arith.constant 0 : i32
      %broadcast_in_dim3A_221 = vector.broadcast %jit3A_220 : i32 to vector<16xi32>
      %select_n3A_222 = arith.select %gt3A_219, %get3A_216, %broadcast_in_dim3A_221 : vector<16xi1>, vector<16xi32>
      %gather3A_223 = tpu.vector_load_idx %arg6[%select_n3A_222] : memref<100000xf32, #tpu.memory_space<vmem>>[vector<16xi32>], vector<16xf32>,
      %jit3A_224 = arith.constant 0.000000e+00 : f32
      %broadcast_in_dim3A_225 = vector.broadcast %jit3A_224 : f32 to vector<16xf32>
      %select_n3A_226 = arith.select %gt3A_219, %gather3A_223, %broadcast_in_dim3A_225 : vector<16xi1>, vector<16xf32>
      %add3A_227 = arith.addf %add3A_206, %select_n3A_226 : vector<16xf32>
      %jit3A_228 = arith.constant 1.000000e+00 : f32
      %jit3A_229 = arith.constant 0.000000e+00 : f32
      %broadcast_in_dim3A_230 = vector.broadcast %jit3A_228 : f32 to vector<16xf32>
      %broadcast_in_dim3A_231 = vector.broadcast %jit3A_229 : f32 to vector<16xf32>
      %select_n3A_232 = arith.select %gt3A_219, %broadcast_in_dim3A_230, %broadcast_in_dim3A_231 : vector<16xi1>, vector<16xf32>
      %add3A_233 = arith.addf %add3A_212, %select_n3A_232 : vector<16xf32>
      %add3A_234 = arith.constant 144 : i32
      %add3A_235 = arith.addi %mul3A_46, %add3A_234 : i32
      %get3A_236 = arith.index_cast %add3A_235 : i32 to index
      %get3A_237 = tpu.vector_load %arg7[%get3A_236] {strides = array<i32>} : memref<6416xi32, #tpu.memory_space<vmem>>, vector<16xi32>,
      %gt3A_238 = arith.constant 0 : i32
      %gt3A_239 = vector.broadcast %gt3A_238 : i32 to vector<16xi32>
      %gt3A_240 = arith.cmpi sgt, %get3A_237, %gt3A_239 : vector<16xi32>
      %jit3A_241 = arith.constant 0 : i32
      %broadcast_in_dim3A_242 = vector.broadcast %jit3A_241 : i32 to vector<16xi32>
      %select_n3A_243 = arith.select %gt3A_240, %get3A_237, %broadcast_in_dim3A_242 : vector<16xi1>, vector<16xi32>
      %gather3A_244 = tpu.vector_load_idx %arg6[%select_n3A_243] : memref<100000xf32, #tpu.memory_space<vmem>>[vector<16xi32>], vector<16xf32>,
      %jit3A_245 = arith.constant 0.000000e+00 : f32
      %broadcast_in_dim3A_246 = vector.broadcast %jit3A_245 : f32 to vector<16xf32>
      %select_n3A_247 = arith.select %gt3A_240, %gather3A_244, %broadcast_in_dim3A_246 : vector<16xi1>, vector<16xf32>
      %add3A_248 = arith.addf %add3A_227, %select_n3A_247 : vector<16xf32>
      %jit3A_249 = arith.constant 1.000000e+00 : f32
      %jit3A_250 = arith.constant 0.000000e+00 : f32
      %broadcast_in_dim3A_251 = vector.broadcast %jit3A_249 : f32 to vector<16xf32>
      %broadcast_in_dim3A_252 = vector.broadcast %jit3A_250 : f32 to vector<16xf32>
      %select_n3A_253 = arith.select %gt3A_240, %broadcast_in_dim3A_251, %broadcast_in_dim3A_252 : vector<16xi1>, vector<16xf32>
      %add3A_254 = arith.addf %add3A_233, %select_n3A_253 : vector<16xf32>
      %add3A_255 = arith.constant 160 : i32
      %add3A_256 = arith.addi %mul3A_46, %add3A_255 : i32
      %get3A_257 = arith.index_cast %add3A_256 : i32 to index
      %get3A_258 = tpu.vector_load %arg7[%get3A_257] {strides = array<i32>} : memref<6416xi32, #tpu.memory_space<vmem>>, vector<16xi32>,
      %gt3A_259 = arith.constant 0 : i32
      %gt3A_260 = vector.broadcast %gt3A_259 : i32 to vector<16xi32>
      %gt3A_261 = arith.cmpi sgt, %get3A_258, %gt3A_260 : vector<16xi32>
      %jit3A_262 = arith.constant 0 : i32
      %broadcast_in_dim3A_263 = vector.broadcast %jit3A_262 : i32 to vector<16xi32>
      %select_n3A_264 = arith.select %gt3A_261, %get3A_258, %broadcast_in_dim3A_263 : vector<16xi1>, vector<16xi32>
      %gather3A_265 = tpu.vector_load_idx %arg6[%select_n3A_264] : memref<100000xf32, #tpu.memory_space<vmem>>[vector<16xi32>], vector<16xf32>,
      %jit3A_266 = arith.constant 0.000000e+00 : f32
      %broadcast_in_dim3A_267 = vector.broadcast %jit3A_266 : f32 to vector<16xf32>
      %select_n3A_268 = arith.select %gt3A_261, %gather3A_265, %broadcast_in_dim3A_267 : vector<16xi1>, vector<16xf32>
      %add3A_269 = arith.addf %add3A_248, %select_n3A_268 : vector<16xf32>
      %jit3A_270 = arith.constant 1.000000e+00 : f32
      %jit3A_271 = arith.constant 0.000000e+00 : f32
      %broadcast_in_dim3A_272 = vector.broadcast %jit3A_270 : f32 to vector<16xf32>
      %broadcast_in_dim3A_273 = vector.broadcast %jit3A_271 : f32 to vector<16xf32>
      %select_n3A_274 = arith.select %gt3A_261, %broadcast_in_dim3A_272, %broadcast_in_dim3A_273 : vector<16xi1>, vector<16xf32>
      %add3A_275 = arith.addf %add3A_254, %select_n3A_274 : vector<16xf32>
      %add3A_276 = arith.constant 176 : i32
      %add3A_277 = arith.addi %mul3A_46, %add3A_276 : i32
      %get3A_278 = arith.index_cast %add3A_277 : i32 to index
      %get3A_279 = tpu.vector_load %arg7[%get3A_278] {strides = array<i32>} : memref<6416xi32, #tpu.memory_space<vmem>>, vector<16xi32>,
      %gt3A_280 = arith.constant 0 : i32
      %gt3A_281 = vector.broadcast %gt3A_280 : i32 to vector<16xi32>
      %gt3A_282 = arith.cmpi sgt, %get3A_279, %gt3A_281 : vector<16xi32>
      %jit3A_283 = arith.constant 0 : i32
      %broadcast_in_dim3A_284 = vector.broadcast %jit3A_283 : i32 to vector<16xi32>
      %select_n3A_285 = arith.select %gt3A_282, %get3A_279, %broadcast_in_dim3A_284 : vector<16xi1>, vector<16xi32>
      %gather3A_286 = tpu.vector_load_idx %arg6[%select_n3A_285] : memref<100000xf32, #tpu.memory_space<vmem>>[vector<16xi32>], vector<16xf32>,
      %jit3A_287 = arith.constant 0.000000e+00 : f32
      %broadcast_in_dim3A_288 = vector.broadcast %jit3A_287 : f32 to vector<16xf32>
      %select_n3A_289 = arith.select %gt3A_282, %gather3A_286, %broadcast_in_dim3A_288 : vector<16xi1>, vector<16xf32>
      %add3A_290 = arith.addf %add3A_269, %select_n3A_289 : vector<16xf32>
      %jit3A_291 = arith.constant 1.000000e+00 : f32
      %jit3A_292 = arith.constant 0.000000e+00 : f32
      %broadcast_in_dim3A_293 = vector.broadcast %jit3A_291 : f32 to vector<16xf32>
      %broadcast_in_dim3A_294 = vector.broadcast %jit3A_292 : f32 to vector<16xf32>
      %select_n3A_295 = arith.select %gt3A_282, %broadcast_in_dim3A_293, %broadcast_in_dim3A_294 : vector<16xi1>, vector<16xf32>
      %add3A_296 = arith.addf %add3A_275, %select_n3A_295 : vector<16xf32>
      %add3A_297 = arith.constant 192 : i32
      %add3A_298 = arith.addi %mul3A_46, %add3A_297 : i32
      %get3A_299 = arith.index_cast %add3A_298 : i32 to index
      %get3A_300 = tpu.vector_load %arg7[%get3A_299] {strides = array<i32>} : memref<6416xi32, #tpu.memory_space<vmem>>, vector<16xi32>,
      %gt3A_301 = arith.constant 0 : i32
      %gt3A_302 = vector.broadcast %gt3A_301 : i32 to vector<16xi32>
      %gt3A_303 = arith.cmpi sgt, %get3A_300, %gt3A_302 : vector<16xi32>
      %and3A = arith.andi %gt3A_303, %lt3A_2 : vector<16xi1>
      %jit3A_304 = arith.constant 0 : i32
      %broadcast_in_dim3A_305 = vector.broadcast %jit3A_304 : i32 to vector<16xi32>
      %select_n3A_306 = arith.select %and3A, %get3A_300, %broadcast_in_dim3A_305 : vector<16xi1>, vector<16xi32>
      %gather3A_307 = tpu.vector_load_idx %arg6[%select_n3A_306] : memref<100000xf32, #tpu.memory_space<vmem>>[vector<16xi32>], vector<16xf32>,
      %jit3A_308 = arith.constant 0.000000e+00 : f32
      %broadcast_in_dim3A_309 = vector.broadcast %jit3A_308 : f32 to vector<16xf32>
      %select_n3A_310 = arith.select %and3A, %gather3A_307, %broadcast_in_dim3A_309 : vector<16xi1>, vector<16xf32>
      %add3A_311 = arith.addf %add3A_290, %select_n3A_310 : vector<16xf32>
      %jit3A_312 = arith.constant 1.000000e+00 : f32
      %jit3A_313 = arith.constant 0.000000e+00 : f32
      %broadcast_in_dim3A_314 = vector.broadcast %jit3A_312 : f32 to vector<16xf32>
      %broadcast_in_dim3A_315 = vector.broadcast %jit3A_313 : f32 to vector<16xf32>
      %select_n3A_316 = arith.select %and3A, %broadcast_in_dim3A_314, %broadcast_in_dim3A_315 : vector<16xi1>, vector<16xf32>
      %add3A_317 = arith.addf %add3A_296, %select_n3A_316 : vector<16xf32>
      %add3A_318 = arith.constant 64 : i32
      %add3A_319 = arith.addi %add3A_318, %scan3A_44 : i32
      %mul3A_320 = arith.constant 16 : i32
      %mul3A_321 = arith.muli %add3A_319, %mul3A_320 : i32
      %swap3A = arith.index_cast %mul3A_321 : i32 to index
      %swap3A_322 = tpu.vector_load %arg8[%swap3A] {strides = array<i32>} : memref<2048xf32, #tpu.memory_space<vmem>>, vector<16xf32>,
      tpu.vector_store %arg8[%swap3A], %add3A_311 {strides = array<i32>} : memref<2048xf32, #tpu.memory_space<vmem>>, vector<16xf32>,
      %swap3A_323 = arith.index_cast %mul3A_321 : i32 to index
      %swap3A_324 = tpu.vector_load %arg9[%swap3A_323] {strides = array<i32>} : memref<2048xf32, #tpu.memory_space<vmem>>, vector<16xf32>,
      tpu.vector_store %arg9[%swap3A_323], %add3A_317 {strides = array<i32>} : memref<2048xf32, #tpu.memory_space<vmem>>, vector<16xf32>,
    }
    %scan3A_31 = arith.constant 32 : i32
    %mul3A_32 = arith.constant 25600 : i32
    %mul3A_33 = arith.muli %add3A, %mul3A_32 : i32
    %add3A_34 = arith.constant 19200 : i32
    %add3A_35 = arith.addi %mul3A_33, %add3A_34 : i32
    "tpu.region"() ({
      %run_scoped3A = tpu.sem_alloc : memref<!tpu.dma_semaphore, #tpu.memory_space<semaphore_mem>>
      %dma_start3A = arith.constant 0 : i32
      %dma_start3A_44 = tpu.memref_slice %arg7[%dma_start3A] : memref<6416xi32, #tpu.memory_space<vmem>> -> memref<6400xi32, #tpu.memory_space<vmem>>
      %dma_start3A_45 = tpu.memref_slice %arg3[%add3A_35] : memref<819200xi32, #tpu.memory_space<hbm>> -> memref<6400xi32, #tpu.memory_space<hbm>>
      %dma_start3A_46 = arith.constant 0 : i32
      %dma_start3A_47 = tpu.memref_slice %arg7[%dma_start3A_46] : memref<6416xi32, #tpu.memory_space<vmem>> -> memref<6400xi32, #tpu.memory_space<vmem>>
      %dma_start3A_48 = tpu.memref_slice %arg3[%add3A_35] : memref<819200xi32, #tpu.memory_space<hbm>> -> memref<6400xi32, #tpu.memory_space<hbm>>
      tpu.enqueue_dma source(%dma_start3A_48 : memref<6400xi32, #tpu.memory_space<hbm>>) target(%dma_start3A_47 : memref<6400xi32, #tpu.memory_space<vmem>>) target_semaphore(%run_scoped3A : memref<!tpu.dma_semaphore, #tpu.memory_space<semaphore_mem>>)
      %dma_wait3A = arith.constant 0 : i32
      %dma_wait3A_49 = tpu.memref_slice %arg7[%dma_wait3A] : memref<6416xi32, #tpu.memory_space<vmem>> -> memref<6400xi32, #tpu.memory_space<vmem>>
      %dma_wait3A_50 = tpu.memref_slice %arg3[%add3A_35] : memref<819200xi32, #tpu.memory_space<hbm>> -> memref<6400xi32, #tpu.memory_space<hbm>>
      %dma_wait3A_51 = arith.constant 0 : i32
      %dma_wait3A_52 = tpu.memref_slice %arg7[%dma_wait3A_51] : memref<6416xi32, #tpu.memory_space<vmem>> -> memref<6400xi32, #tpu.memory_space<vmem>>
      %dma_wait3A_53 = tpu.memref_slice %arg3[%add3A_35] : memref<819200xi32, #tpu.memory_space<hbm>> -> memref<6400xi32, #tpu.memory_space<hbm>>
      tpu.wait_dma2 semaphore(%run_scoped3A : memref<!tpu.dma_semaphore, #tpu.memory_space<semaphore_mem>>) src(%dma_wait3A_53 : memref<6400xi32, #tpu.memory_space<hbm>>) dst(%dma_wait3A_52 : memref<6400xi32, #tpu.memory_space<vmem>>)
      tpu.yield
    }) : () -> ()
    %scan3A_36 = arith.constant 0 : i32
    %scan3A_37 = arith.constant 0 : i32
    %scan3A_38 = arith.constant 32 : i32
    %scan3A_39 = arith.addi %scan3A_37, %scan3A_38 : i32
    %scan3A_40 = arith.constant 1 : i32
    scf.for %scan3A_44 = %scan3A_37 to %scan3A_39 step %scan3A_40  : i32 {
      %mul3A_45 = arith.constant 200 : i32
      %mul3A_46 = arith.muli %scan3A_44, %mul3A_45 : i32
      %broadcast_in_dim3A = arith.constant 0.000000e+00 : f32
      %broadcast_in_dim3A_47 = vector.broadcast %broadcast_in_dim3A : f32 to vector<16xf32>
      %broadcast_in_dim3A_48 = arith.constant 0.000000e+00 : f32
      %broadcast_in_dim3A_49 = vector.broadcast %broadcast_in_dim3A_48 : f32 to vector<16xf32>
      %add3A_50 = arith.constant 0 : i32
      %add3A_51 = arith.addi %mul3A_46, %add3A_50 : i32
      %get3A = arith.index_cast %add3A_51 : i32 to index
      %get3A_52 = tpu.vector_load %arg7[%get3A] {strides = array<i32>} : memref<6416xi32, #tpu.memory_space<vmem>>, vector<16xi32>,
      %gt3A = arith.constant 0 : i32
      %gt3A_53 = vector.broadcast %gt3A : i32 to vector<16xi32>
      %gt3A_54 = arith.cmpi sgt, %get3A_52, %gt3A_53 : vector<16xi32>
      %jit3A = arith.constant 0 : i32
      %broadcast_in_dim3A_55 = vector.broadcast %jit3A : i32 to vector<16xi32>
      %select_n3A = arith.select %gt3A_54, %get3A_52, %broadcast_in_dim3A_55 : vector<16xi1>, vector<16xi32>
      %gather3A = tpu.vector_load_idx %arg6[%select_n3A] : memref<100000xf32, #tpu.memory_space<vmem>>[vector<16xi32>], vector<16xf32>,
      %jit3A_56 = arith.constant 0.000000e+00 : f32
      %broadcast_in_dim3A_57 = vector.broadcast %jit3A_56 : f32 to vector<16xf32>
      %select_n3A_58 = arith.select %gt3A_54, %gather3A, %broadcast_in_dim3A_57 : vector<16xi1>, vector<16xf32>
      %add3A_59 = arith.addf %broadcast_in_dim3A_47, %select_n3A_58 : vector<16xf32>
      %jit3A_60 = arith.constant 1.000000e+00 : f32
      %jit3A_61 = arith.constant 0.000000e+00 : f32
      %broadcast_in_dim3A_62 = vector.broadcast %jit3A_60 : f32 to vector<16xf32>
      %broadcast_in_dim3A_63 = vector.broadcast %jit3A_61 : f32 to vector<16xf32>
      %select_n3A_64 = arith.select %gt3A_54, %broadcast_in_dim3A_62, %broadcast_in_dim3A_63 : vector<16xi1>, vector<16xf32>
      %add3A_65 = arith.addf %broadcast_in_dim3A_49, %select_n3A_64 : vector<16xf32>
      %add3A_66 = arith.constant 16 : i32
      %add3A_67 = arith.addi %mul3A_46, %add3A_66 : i32
      %get3A_68 = arith.index_cast %add3A_67 : i32 to index
      %get3A_69 = tpu.vector_load %arg7[%get3A_68] {strides = array<i32>} : memref<6416xi32, #tpu.memory_space<vmem>>, vector<16xi32>,
      %gt3A_70 = arith.constant 0 : i32
      %gt3A_71 = vector.broadcast %gt3A_70 : i32 to vector<16xi32>
      %gt3A_72 = arith.cmpi sgt, %get3A_69, %gt3A_71 : vector<16xi32>
      %jit3A_73 = arith.constant 0 : i32
      %broadcast_in_dim3A_74 = vector.broadcast %jit3A_73 : i32 to vector<16xi32>
      %select_n3A_75 = arith.select %gt3A_72, %get3A_69, %broadcast_in_dim3A_74 : vector<16xi1>, vector<16xi32>
      %gather3A_76 = tpu.vector_load_idx %arg6[%select_n3A_75] : memref<100000xf32, #tpu.memory_space<vmem>>[vector<16xi32>], vector<16xf32>,
      %jit3A_77 = arith.constant 0.000000e+00 : f32
      %broadcast_in_dim3A_78 = vector.broadcast %jit3A_77 : f32 to vector<16xf32>
      %select_n3A_79 = arith.select %gt3A_72, %gather3A_76, %broadcast_in_dim3A_78 : vector<16xi1>, vector<16xf32>
      %add3A_80 = arith.addf %add3A_59, %select_n3A_79 : vector<16xf32>
      %jit3A_81 = arith.constant 1.000000e+00 : f32
      %jit3A_82 = arith.constant 0.000000e+00 : f32
      %broadcast_in_dim3A_83 = vector.broadcast %jit3A_81 : f32 to vector<16xf32>
      %broadcast_in_dim3A_84 = vector.broadcast %jit3A_82 : f32 to vector<16xf32>
      %select_n3A_85 = arith.select %gt3A_72, %broadcast_in_dim3A_83, %broadcast_in_dim3A_84 : vector<16xi1>, vector<16xf32>
      %add3A_86 = arith.addf %add3A_65, %select_n3A_85 : vector<16xf32>
      %add3A_87 = arith.constant 32 : i32
      %add3A_88 = arith.addi %mul3A_46, %add3A_87 : i32
      %get3A_89 = arith.index_cast %add3A_88 : i32 to index
      %get3A_90 = tpu.vector_load %arg7[%get3A_89] {strides = array<i32>} : memref<6416xi32, #tpu.memory_space<vmem>>, vector<16xi32>,
      %gt3A_91 = arith.constant 0 : i32
      %gt3A_92 = vector.broadcast %gt3A_91 : i32 to vector<16xi32>
      %gt3A_93 = arith.cmpi sgt, %get3A_90, %gt3A_92 : vector<16xi32>
      %jit3A_94 = arith.constant 0 : i32
      %broadcast_in_dim3A_95 = vector.broadcast %jit3A_94 : i32 to vector<16xi32>
      %select_n3A_96 = arith.select %gt3A_93, %get3A_90, %broadcast_in_dim3A_95 : vector<16xi1>, vector<16xi32>
      %gather3A_97 = tpu.vector_load_idx %arg6[%select_n3A_96] : memref<100000xf32, #tpu.memory_space<vmem>>[vector<16xi32>], vector<16xf32>,
      %jit3A_98 = arith.constant 0.000000e+00 : f32
      %broadcast_in_dim3A_99 = vector.broadcast %jit3A_98 : f32 to vector<16xf32>
      %select_n3A_100 = arith.select %gt3A_93, %gather3A_97, %broadcast_in_dim3A_99 : vector<16xi1>, vector<16xf32>
      %add3A_101 = arith.addf %add3A_80, %select_n3A_100 : vector<16xf32>
      %jit3A_102 = arith.constant 1.000000e+00 : f32
      %jit3A_103 = arith.constant 0.000000e+00 : f32
      %broadcast_in_dim3A_104 = vector.broadcast %jit3A_102 : f32 to vector<16xf32>
      %broadcast_in_dim3A_105 = vector.broadcast %jit3A_103 : f32 to vector<16xf32>
      %select_n3A_106 = arith.select %gt3A_93, %broadcast_in_dim3A_104, %broadcast_in_dim3A_105 : vector<16xi1>, vector<16xf32>
      %add3A_107 = arith.addf %add3A_86, %select_n3A_106 : vector<16xf32>
      %add3A_108 = arith.constant 48 : i32
      %add3A_109 = arith.addi %mul3A_46, %add3A_108 : i32
      %get3A_110 = arith.index_cast %add3A_109 : i32 to index
      %get3A_111 = tpu.vector_load %arg7[%get3A_110] {strides = array<i32>} : memref<6416xi32, #tpu.memory_space<vmem>>, vector<16xi32>,
      %gt3A_112 = arith.constant 0 : i32
      %gt3A_113 = vector.broadcast %gt3A_112 : i32 to vector<16xi32>
      %gt3A_114 = arith.cmpi sgt, %get3A_111, %gt3A_113 : vector<16xi32>
      %jit3A_115 = arith.constant 0 : i32
      %broadcast_in_dim3A_116 = vector.broadcast %jit3A_115 : i32 to vector<16xi32>
      %select_n3A_117 = arith.select %gt3A_114, %get3A_111, %broadcast_in_dim3A_116 : vector<16xi1>, vector<16xi32>
      %gather3A_118 = tpu.vector_load_idx %arg6[%select_n3A_117] : memref<100000xf32, #tpu.memory_space<vmem>>[vector<16xi32>], vector<16xf32>,
      %jit3A_119 = arith.constant 0.000000e+00 : f32
      %broadcast_in_dim3A_120 = vector.broadcast %jit3A_119 : f32 to vector<16xf32>
      %select_n3A_121 = arith.select %gt3A_114, %gather3A_118, %broadcast_in_dim3A_120 : vector<16xi1>, vector<16xf32>
      %add3A_122 = arith.addf %add3A_101, %select_n3A_121 : vector<16xf32>
      %jit3A_123 = arith.constant 1.000000e+00 : f32
      %jit3A_124 = arith.constant 0.000000e+00 : f32
      %broadcast_in_dim3A_125 = vector.broadcast %jit3A_123 : f32 to vector<16xf32>
      %broadcast_in_dim3A_126 = vector.broadcast %jit3A_124 : f32 to vector<16xf32>
      %select_n3A_127 = arith.select %gt3A_114, %broadcast_in_dim3A_125, %broadcast_in_dim3A_126 : vector<16xi1>, vector<16xf32>
      %add3A_128 = arith.addf %add3A_107, %select_n3A_127 : vector<16xf32>
      %add3A_129 = arith.constant 64 : i32
      %add3A_130 = arith.addi %mul3A_46, %add3A_129 : i32
      %get3A_131 = arith.index_cast %add3A_130 : i32 to index
      %get3A_132 = tpu.vector_load %arg7[%get3A_131] {strides = array<i32>} : memref<6416xi32, #tpu.memory_space<vmem>>, vector<16xi32>,
      %gt3A_133 = arith.constant 0 : i32
      %gt3A_134 = vector.broadcast %gt3A_133 : i32 to vector<16xi32>
      %gt3A_135 = arith.cmpi sgt, %get3A_132, %gt3A_134 : vector<16xi32>
      %jit3A_136 = arith.constant 0 : i32
      %broadcast_in_dim3A_137 = vector.broadcast %jit3A_136 : i32 to vector<16xi32>
      %select_n3A_138 = arith.select %gt3A_135, %get3A_132, %broadcast_in_dim3A_137 : vector<16xi1>, vector<16xi32>
      %gather3A_139 = tpu.vector_load_idx %arg6[%select_n3A_138] : memref<100000xf32, #tpu.memory_space<vmem>>[vector<16xi32>], vector<16xf32>,
      %jit3A_140 = arith.constant 0.000000e+00 : f32
      %broadcast_in_dim3A_141 = vector.broadcast %jit3A_140 : f32 to vector<16xf32>
      %select_n3A_142 = arith.select %gt3A_135, %gather3A_139, %broadcast_in_dim3A_141 : vector<16xi1>, vector<16xf32>
      %add3A_143 = arith.addf %add3A_122, %select_n3A_142 : vector<16xf32>
      %jit3A_144 = arith.constant 1.000000e+00 : f32
      %jit3A_145 = arith.constant 0.000000e+00 : f32
      %broadcast_in_dim3A_146 = vector.broadcast %jit3A_144 : f32 to vector<16xf32>
      %broadcast_in_dim3A_147 = vector.broadcast %jit3A_145 : f32 to vector<16xf32>
      %select_n3A_148 = arith.select %gt3A_135, %broadcast_in_dim3A_146, %broadcast_in_dim3A_147 : vector<16xi1>, vector<16xf32>
      %add3A_149 = arith.addf %add3A_128, %select_n3A_148 : vector<16xf32>
      %add3A_150 = arith.constant 80 : i32
      %add3A_151 = arith.addi %mul3A_46, %add3A_150 : i32
      %get3A_152 = arith.index_cast %add3A_151 : i32 to index
      %get3A_153 = tpu.vector_load %arg7[%get3A_152] {strides = array<i32>} : memref<6416xi32, #tpu.memory_space<vmem>>, vector<16xi32>,
      %gt3A_154 = arith.constant 0 : i32
      %gt3A_155 = vector.broadcast %gt3A_154 : i32 to vector<16xi32>
      %gt3A_156 = arith.cmpi sgt, %get3A_153, %gt3A_155 : vector<16xi32>
      %jit3A_157 = arith.constant 0 : i32
      %broadcast_in_dim3A_158 = vector.broadcast %jit3A_157 : i32 to vector<16xi32>
      %select_n3A_159 = arith.select %gt3A_156, %get3A_153, %broadcast_in_dim3A_158 : vector<16xi1>, vector<16xi32>
      %gather3A_160 = tpu.vector_load_idx %arg6[%select_n3A_159] : memref<100000xf32, #tpu.memory_space<vmem>>[vector<16xi32>], vector<16xf32>,
      %jit3A_161 = arith.constant 0.000000e+00 : f32
      %broadcast_in_dim3A_162 = vector.broadcast %jit3A_161 : f32 to vector<16xf32>
      %select_n3A_163 = arith.select %gt3A_156, %gather3A_160, %broadcast_in_dim3A_162 : vector<16xi1>, vector<16xf32>
      %add3A_164 = arith.addf %add3A_143, %select_n3A_163 : vector<16xf32>
      %jit3A_165 = arith.constant 1.000000e+00 : f32
      %jit3A_166 = arith.constant 0.000000e+00 : f32
      %broadcast_in_dim3A_167 = vector.broadcast %jit3A_165 : f32 to vector<16xf32>
      %broadcast_in_dim3A_168 = vector.broadcast %jit3A_166 : f32 to vector<16xf32>
      %select_n3A_169 = arith.select %gt3A_156, %broadcast_in_dim3A_167, %broadcast_in_dim3A_168 : vector<16xi1>, vector<16xf32>
      %add3A_170 = arith.addf %add3A_149, %select_n3A_169 : vector<16xf32>
      %add3A_171 = arith.constant 96 : i32
      %add3A_172 = arith.addi %mul3A_46, %add3A_171 : i32
      %get3A_173 = arith.index_cast %add3A_172 : i32 to index
      %get3A_174 = tpu.vector_load %arg7[%get3A_173] {strides = array<i32>} : memref<6416xi32, #tpu.memory_space<vmem>>, vector<16xi32>,
      %gt3A_175 = arith.constant 0 : i32
      %gt3A_176 = vector.broadcast %gt3A_175 : i32 to vector<16xi32>
      %gt3A_177 = arith.cmpi sgt, %get3A_174, %gt3A_176 : vector<16xi32>
      %jit3A_178 = arith.constant 0 : i32
      %broadcast_in_dim3A_179 = vector.broadcast %jit3A_178 : i32 to vector<16xi32>
      %select_n3A_180 = arith.select %gt3A_177, %get3A_174, %broadcast_in_dim3A_179 : vector<16xi1>, vector<16xi32>
      %gather3A_181 = tpu.vector_load_idx %arg6[%select_n3A_180] : memref<100000xf32, #tpu.memory_space<vmem>>[vector<16xi32>], vector<16xf32>,
      %jit3A_182 = arith.constant 0.000000e+00 : f32
      %broadcast_in_dim3A_183 = vector.broadcast %jit3A_182 : f32 to vector<16xf32>
      %select_n3A_184 = arith.select %gt3A_177, %gather3A_181, %broadcast_in_dim3A_183 : vector<16xi1>, vector<16xf32>
      %add3A_185 = arith.addf %add3A_164, %select_n3A_184 : vector<16xf32>
      %jit3A_186 = arith.constant 1.000000e+00 : f32
      %jit3A_187 = arith.constant 0.000000e+00 : f32
      %broadcast_in_dim3A_188 = vector.broadcast %jit3A_186 : f32 to vector<16xf32>
      %broadcast_in_dim3A_189 = vector.broadcast %jit3A_187 : f32 to vector<16xf32>
      %select_n3A_190 = arith.select %gt3A_177, %broadcast_in_dim3A_188, %broadcast_in_dim3A_189 : vector<16xi1>, vector<16xf32>
      %add3A_191 = arith.addf %add3A_170, %select_n3A_190 : vector<16xf32>
      %add3A_192 = arith.constant 112 : i32
      %add3A_193 = arith.addi %mul3A_46, %add3A_192 : i32
      %get3A_194 = arith.index_cast %add3A_193 : i32 to index
      %get3A_195 = tpu.vector_load %arg7[%get3A_194] {strides = array<i32>} : memref<6416xi32, #tpu.memory_space<vmem>>, vector<16xi32>,
      %gt3A_196 = arith.constant 0 : i32
      %gt3A_197 = vector.broadcast %gt3A_196 : i32 to vector<16xi32>
      %gt3A_198 = arith.cmpi sgt, %get3A_195, %gt3A_197 : vector<16xi32>
      %jit3A_199 = arith.constant 0 : i32
      %broadcast_in_dim3A_200 = vector.broadcast %jit3A_199 : i32 to vector<16xi32>
      %select_n3A_201 = arith.select %gt3A_198, %get3A_195, %broadcast_in_dim3A_200 : vector<16xi1>, vector<16xi32>
      %gather3A_202 = tpu.vector_load_idx %arg6[%select_n3A_201] : memref<100000xf32, #tpu.memory_space<vmem>>[vector<16xi32>], vector<16xf32>,
      %jit3A_203 = arith.constant 0.000000e+00 : f32
      %broadcast_in_dim3A_204 = vector.broadcast %jit3A_203 : f32 to vector<16xf32>
      %select_n3A_205 = arith.select %gt3A_198, %gather3A_202, %broadcast_in_dim3A_204 : vector<16xi1>, vector<16xf32>
      %add3A_206 = arith.addf %add3A_185, %select_n3A_205 : vector<16xf32>
      %jit3A_207 = arith.constant 1.000000e+00 : f32
      %jit3A_208 = arith.constant 0.000000e+00 : f32
      %broadcast_in_dim3A_209 = vector.broadcast %jit3A_207 : f32 to vector<16xf32>
      %broadcast_in_dim3A_210 = vector.broadcast %jit3A_208 : f32 to vector<16xf32>
      %select_n3A_211 = arith.select %gt3A_198, %broadcast_in_dim3A_209, %broadcast_in_dim3A_210 : vector<16xi1>, vector<16xf32>
      %add3A_212 = arith.addf %add3A_191, %select_n3A_211 : vector<16xf32>
      %add3A_213 = arith.constant 128 : i32
      %add3A_214 = arith.addi %mul3A_46, %add3A_213 : i32
      %get3A_215 = arith.index_cast %add3A_214 : i32 to index
      %get3A_216 = tpu.vector_load %arg7[%get3A_215] {strides = array<i32>} : memref<6416xi32, #tpu.memory_space<vmem>>, vector<16xi32>,
      %gt3A_217 = arith.constant 0 : i32
      %gt3A_218 = vector.broadcast %gt3A_217 : i32 to vector<16xi32>
      %gt3A_219 = arith.cmpi sgt, %get3A_216, %gt3A_218 : vector<16xi32>
      %jit3A_220 = arith.constant 0 : i32
      %broadcast_in_dim3A_221 = vector.broadcast %jit3A_220 : i32 to vector<16xi32>
      %select_n3A_222 = arith.select %gt3A_219, %get3A_216, %broadcast_in_dim3A_221 : vector<16xi1>, vector<16xi32>
      %gather3A_223 = tpu.vector_load_idx %arg6[%select_n3A_222] : memref<100000xf32, #tpu.memory_space<vmem>>[vector<16xi32>], vector<16xf32>,
      %jit3A_224 = arith.constant 0.000000e+00 : f32
      %broadcast_in_dim3A_225 = vector.broadcast %jit3A_224 : f32 to vector<16xf32>
      %select_n3A_226 = arith.select %gt3A_219, %gather3A_223, %broadcast_in_dim3A_225 : vector<16xi1>, vector<16xf32>
      %add3A_227 = arith.addf %add3A_206, %select_n3A_226 : vector<16xf32>
      %jit3A_228 = arith.constant 1.000000e+00 : f32
      %jit3A_229 = arith.constant 0.000000e+00 : f32
      %broadcast_in_dim3A_230 = vector.broadcast %jit3A_228 : f32 to vector<16xf32>
      %broadcast_in_dim3A_231 = vector.broadcast %jit3A_229 : f32 to vector<16xf32>
      %select_n3A_232 = arith.select %gt3A_219, %broadcast_in_dim3A_230, %broadcast_in_dim3A_231 : vector<16xi1>, vector<16xf32>
      %add3A_233 = arith.addf %add3A_212, %select_n3A_232 : vector<16xf32>
      %add3A_234 = arith.constant 144 : i32
      %add3A_235 = arith.addi %mul3A_46, %add3A_234 : i32
      %get3A_236 = arith.index_cast %add3A_235 : i32 to index
      %get3A_237 = tpu.vector_load %arg7[%get3A_236] {strides = array<i32>} : memref<6416xi32, #tpu.memory_space<vmem>>, vector<16xi32>,
      %gt3A_238 = arith.constant 0 : i32
      %gt3A_239 = vector.broadcast %gt3A_238 : i32 to vector<16xi32>
      %gt3A_240 = arith.cmpi sgt, %get3A_237, %gt3A_239 : vector<16xi32>
      %jit3A_241 = arith.constant 0 : i32
      %broadcast_in_dim3A_242 = vector.broadcast %jit3A_241 : i32 to vector<16xi32>
      %select_n3A_243 = arith.select %gt3A_240, %get3A_237, %broadcast_in_dim3A_242 : vector<16xi1>, vector<16xi32>
      %gather3A_244 = tpu.vector_load_idx %arg6[%select_n3A_243] : memref<100000xf32, #tpu.memory_space<vmem>>[vector<16xi32>], vector<16xf32>,
      %jit3A_245 = arith.constant 0.000000e+00 : f32
      %broadcast_in_dim3A_246 = vector.broadcast %jit3A_245 : f32 to vector<16xf32>
      %select_n3A_247 = arith.select %gt3A_240, %gather3A_244, %broadcast_in_dim3A_246 : vector<16xi1>, vector<16xf32>
      %add3A_248 = arith.addf %add3A_227, %select_n3A_247 : vector<16xf32>
      %jit3A_249 = arith.constant 1.000000e+00 : f32
      %jit3A_250 = arith.constant 0.000000e+00 : f32
      %broadcast_in_dim3A_251 = vector.broadcast %jit3A_249 : f32 to vector<16xf32>
      %broadcast_in_dim3A_252 = vector.broadcast %jit3A_250 : f32 to vector<16xf32>
      %select_n3A_253 = arith.select %gt3A_240, %broadcast_in_dim3A_251, %broadcast_in_dim3A_252 : vector<16xi1>, vector<16xf32>
      %add3A_254 = arith.addf %add3A_233, %select_n3A_253 : vector<16xf32>
      %add3A_255 = arith.constant 160 : i32
      %add3A_256 = arith.addi %mul3A_46, %add3A_255 : i32
      %get3A_257 = arith.index_cast %add3A_256 : i32 to index
      %get3A_258 = tpu.vector_load %arg7[%get3A_257] {strides = array<i32>} : memref<6416xi32, #tpu.memory_space<vmem>>, vector<16xi32>,
      %gt3A_259 = arith.constant 0 : i32
      %gt3A_260 = vector.broadcast %gt3A_259 : i32 to vector<16xi32>
      %gt3A_261 = arith.cmpi sgt, %get3A_258, %gt3A_260 : vector<16xi32>
      %jit3A_262 = arith.constant 0 : i32
      %broadcast_in_dim3A_263 = vector.broadcast %jit3A_262 : i32 to vector<16xi32>
      %select_n3A_264 = arith.select %gt3A_261, %get3A_258, %broadcast_in_dim3A_263 : vector<16xi1>, vector<16xi32>
      %gather3A_265 = tpu.vector_load_idx %arg6[%select_n3A_264] : memref<100000xf32, #tpu.memory_space<vmem>>[vector<16xi32>], vector<16xf32>,
      %jit3A_266 = arith.constant 0.000000e+00 : f32
      %broadcast_in_dim3A_267 = vector.broadcast %jit3A_266 : f32 to vector<16xf32>
      %select_n3A_268 = arith.select %gt3A_261, %gather3A_265, %broadcast_in_dim3A_267 : vector<16xi1>, vector<16xf32>
      %add3A_269 = arith.addf %add3A_248, %select_n3A_268 : vector<16xf32>
      %jit3A_270 = arith.constant 1.000000e+00 : f32
      %jit3A_271 = arith.constant 0.000000e+00 : f32
      %broadcast_in_dim3A_272 = vector.broadcast %jit3A_270 : f32 to vector<16xf32>
      %broadcast_in_dim3A_273 = vector.broadcast %jit3A_271 : f32 to vector<16xf32>
      %select_n3A_274 = arith.select %gt3A_261, %broadcast_in_dim3A_272, %broadcast_in_dim3A_273 : vector<16xi1>, vector<16xf32>
      %add3A_275 = arith.addf %add3A_254, %select_n3A_274 : vector<16xf32>
      %add3A_276 = arith.constant 176 : i32
      %add3A_277 = arith.addi %mul3A_46, %add3A_276 : i32
      %get3A_278 = arith.index_cast %add3A_277 : i32 to index
      %get3A_279 = tpu.vector_load %arg7[%get3A_278] {strides = array<i32>} : memref<6416xi32, #tpu.memory_space<vmem>>, vector<16xi32>,
      %gt3A_280 = arith.constant 0 : i32
      %gt3A_281 = vector.broadcast %gt3A_280 : i32 to vector<16xi32>
      %gt3A_282 = arith.cmpi sgt, %get3A_279, %gt3A_281 : vector<16xi32>
      %jit3A_283 = arith.constant 0 : i32
      %broadcast_in_dim3A_284 = vector.broadcast %jit3A_283 : i32 to vector<16xi32>
      %select_n3A_285 = arith.select %gt3A_282, %get3A_279, %broadcast_in_dim3A_284 : vector<16xi1>, vector<16xi32>
      %gather3A_286 = tpu.vector_load_idx %arg6[%select_n3A_285] : memref<100000xf32, #tpu.memory_space<vmem>>[vector<16xi32>], vector<16xf32>,
      %jit3A_287 = arith.constant 0.000000e+00 : f32
      %broadcast_in_dim3A_288 = vector.broadcast %jit3A_287 : f32 to vector<16xf32>
      %select_n3A_289 = arith.select %gt3A_282, %gather3A_286, %broadcast_in_dim3A_288 : vector<16xi1>, vector<16xf32>
      %add3A_290 = arith.addf %add3A_269, %select_n3A_289 : vector<16xf32>
      %jit3A_291 = arith.constant 1.000000e+00 : f32
      %jit3A_292 = arith.constant 0.000000e+00 : f32
      %broadcast_in_dim3A_293 = vector.broadcast %jit3A_291 : f32 to vector<16xf32>
      %broadcast_in_dim3A_294 = vector.broadcast %jit3A_292 : f32 to vector<16xf32>
      %select_n3A_295 = arith.select %gt3A_282, %broadcast_in_dim3A_293, %broadcast_in_dim3A_294 : vector<16xi1>, vector<16xf32>
      %add3A_296 = arith.addf %add3A_275, %select_n3A_295 : vector<16xf32>
      %add3A_297 = arith.constant 192 : i32
      %add3A_298 = arith.addi %mul3A_46, %add3A_297 : i32
      %get3A_299 = arith.index_cast %add3A_298 : i32 to index
      %get3A_300 = tpu.vector_load %arg7[%get3A_299] {strides = array<i32>} : memref<6416xi32, #tpu.memory_space<vmem>>, vector<16xi32>,
      %gt3A_301 = arith.constant 0 : i32
      %gt3A_302 = vector.broadcast %gt3A_301 : i32 to vector<16xi32>
      %gt3A_303 = arith.cmpi sgt, %get3A_300, %gt3A_302 : vector<16xi32>
      %and3A = arith.andi %gt3A_303, %lt3A_2 : vector<16xi1>
      %jit3A_304 = arith.constant 0 : i32
      %broadcast_in_dim3A_305 = vector.broadcast %jit3A_304 : i32 to vector<16xi32>
      %select_n3A_306 = arith.select %and3A, %get3A_300, %broadcast_in_dim3A_305 : vector<16xi1>, vector<16xi32>
      %gather3A_307 = tpu.vector_load_idx %arg6[%select_n3A_306] : memref<100000xf32, #tpu.memory_space<vmem>>[vector<16xi32>], vector<16xf32>,
      %jit3A_308 = arith.constant 0.000000e+00 : f32
      %broadcast_in_dim3A_309 = vector.broadcast %jit3A_308 : f32 to vector<16xf32>
      %select_n3A_310 = arith.select %and3A, %gather3A_307, %broadcast_in_dim3A_309 : vector<16xi1>, vector<16xf32>
      %add3A_311 = arith.addf %add3A_290, %select_n3A_310 : vector<16xf32>
      %jit3A_312 = arith.constant 1.000000e+00 : f32
      %jit3A_313 = arith.constant 0.000000e+00 : f32
      %broadcast_in_dim3A_314 = vector.broadcast %jit3A_312 : f32 to vector<16xf32>
      %broadcast_in_dim3A_315 = vector.broadcast %jit3A_313 : f32 to vector<16xf32>
      %select_n3A_316 = arith.select %and3A, %broadcast_in_dim3A_314, %broadcast_in_dim3A_315 : vector<16xi1>, vector<16xf32>
      %add3A_317 = arith.addf %add3A_296, %select_n3A_316 : vector<16xf32>
      %add3A_318 = arith.constant 96 : i32
      %add3A_319 = arith.addi %add3A_318, %scan3A_44 : i32
      %mul3A_320 = arith.constant 16 : i32
      %mul3A_321 = arith.muli %add3A_319, %mul3A_320 : i32
      %swap3A = arith.index_cast %mul3A_321 : i32 to index
      %swap3A_322 = tpu.vector_load %arg8[%swap3A] {strides = array<i32>} : memref<2048xf32, #tpu.memory_space<vmem>>, vector<16xf32>,
      tpu.vector_store %arg8[%swap3A], %add3A_311 {strides = array<i32>} : memref<2048xf32, #tpu.memory_space<vmem>>, vector<16xf32>,
      %swap3A_323 = arith.index_cast %mul3A_321 : i32 to index
      %swap3A_324 = tpu.vector_load %arg9[%swap3A_323] {strides = array<i32>} : memref<2048xf32, #tpu.memory_space<vmem>>, vector<16xf32>,
      tpu.vector_store %arg9[%swap3A_323], %add3A_317 {strides = array<i32>} : memref<2048xf32, #tpu.memory_space<vmem>>, vector<16xf32>,
    }
    %scan3A_41 = arith.constant 32 : i32
    %mul3A_42 = arith.constant 2048 : i32
    %mul3A_43 = arith.muli %add3A, %mul3A_42 : i32
    "tpu.region"() ({
      %run_scoped3A = tpu.sem_alloc : memref<!tpu.dma_semaphore, #tpu.memory_space<semaphore_mem>>
      %dma_start3A = tpu.memref_slice %arg4[%mul3A_43] : memref<65536xf32, #tpu.memory_space<hbm>> -> memref<2048xf32, #tpu.memory_space<hbm>>
      %dma_start3A_44 = tpu.memref_slice %arg4[%mul3A_43] : memref<65536xf32, #tpu.memory_space<hbm>> -> memref<2048xf32, #tpu.memory_space<hbm>>
      tpu.enqueue_dma source(%arg8 : memref<2048xf32, #tpu.memory_space<vmem>>) target(%dma_start3A_44 : memref<2048xf32, #tpu.memory_space<hbm>>) target_semaphore(%run_scoped3A : memref<!tpu.dma_semaphore, #tpu.memory_space<semaphore_mem>>)
      %dma_wait3A = tpu.memref_slice %arg4[%mul3A_43] : memref<65536xf32, #tpu.memory_space<hbm>> -> memref<2048xf32, #tpu.memory_space<hbm>>
      %dma_wait3A_45 = tpu.memref_slice %arg4[%mul3A_43] : memref<65536xf32, #tpu.memory_space<hbm>> -> memref<2048xf32, #tpu.memory_space<hbm>>
      tpu.wait_dma2 semaphore(%run_scoped3A : memref<!tpu.dma_semaphore, #tpu.memory_space<semaphore_mem>>) src(%arg8 : memref<2048xf32, #tpu.memory_space<vmem>>) dst(%dma_wait3A_45 : memref<2048xf32, #tpu.memory_space<hbm>>)
      tpu.yield
    }) : () -> ()
    "tpu.region"() ({
      %run_scoped3A = tpu.sem_alloc : memref<!tpu.dma_semaphore, #tpu.memory_space<semaphore_mem>>
      %dma_start3A = tpu.memref_slice %arg5[%mul3A_43] : memref<65536xf32, #tpu.memory_space<hbm>> -> memref<2048xf32, #tpu.memory_space<hbm>>
      %dma_start3A_44 = tpu.memref_slice %arg5[%mul3A_43] : memref<65536xf32, #tpu.memory_space<hbm>> -> memref<2048xf32, #tpu.memory_space<hbm>>
      tpu.enqueue_dma source(%arg9 : memref<2048xf32, #tpu.memory_space<vmem>>) target(%dma_start3A_44 : memref<2048xf32, #tpu.memory_space<hbm>>) target_semaphore(%run_scoped3A : memref<!tpu.dma_semaphore, #tpu.memory_space<semaphore_mem>>)
      %dma_wait3A = tpu.memref_slice %arg5[%mul3A_43] : memref<65536xf32, #tpu.memory_space<hbm>> -> memref<2048xf32, #tpu.memory_space<hbm>>
      %dma_wait3A_45 = tpu.memref_slice %arg5[%mul3A_43] : memref<65536xf32, #tpu.memory_space<hbm>> -> memref<2048xf32, #tpu.memory_space<hbm>>
      tpu.wait_dma2 semaphore(%run_scoped3A : memref<!tpu.dma_semaphore, #tpu.memory_space<semaphore_mem>>) src(%arg9 : memref<2048xf32, #tpu.memory_space<vmem>>) dst(%dma_wait3A_45 : memref<2048xf32, #tpu.memory_space<hbm>>)
      tpu.yield
    }) : () -> ()
    return
  }
}

module attributes {stable_mosaic.version = 14 : i64} {
  func.func @_matvec_body(%arg0: i32, %arg1: memref<5000x64xf32, #tpu.memory_space<vmem>>, %arg2: memref<1x64xf32, #tpu.memory_space<vmem>>, %arg3: memref<5000x1xf32, #tpu.memory_space<vmem>>) attributes {dimension_semantics = [#tpu.dimension_semantics<arbitrary>], iteration_bounds = array<i64: 20>, scalar_prefetch = 0 : i64, scratch_operands = 0 : i64, tpu.core_type = #tpu.core_type<tc>, window_params = [{transform_indices = @transform_0, window_bounds = array<i64: 5000, 64>}, {pipeline_mode = #tpu.pipeline_mode<synchronous>, transform_indices = @transform_1, window_bounds = array<i64: 1, 64>}, {transform_indices = @transform_2, window_bounds = array<i64: 5000, 1>}]} {
    %get3A = arith.constant 0 : index
    %get3A_0 = arith.constant 0 : index
    %get3A_1 = vector.load %arg1[%get3A, %get3A_0] : memref<5000x64xf32, #tpu.memory_space<vmem>>, vector<5000x64xf32>
    %get3A_2 = arith.constant 0 : index
    %get3A_3 = arith.constant 0 : index
    %get3A_4 = vector.load %arg2[%get3A_2, %get3A_3] : memref<1x64xf32, #tpu.memory_space<vmem>>, vector<1x64xf32>
    %mul3A = vector.broadcast %get3A_4 : vector<1x64xf32> to vector<5000x64xf32>
    %mul3A_5 = arith.mulf %get3A_1, %mul3A : vector<5000x64xf32>
    %reduce_sum3A = arith.constant dense<0.000000e+00> : vector<5000xf32>
    %reduce_sum3A_6 = vector.multi_reduction <add>, %mul3A_5, %reduce_sum3A [1] : vector<5000x64xf32> to vector<5000xf32>
    %broadcast_in_dim3A = vector.shape_cast %reduce_sum3A_6 : vector<5000xf32> to vector<5000x1xf32>
    %swap3A = arith.constant 0 : index
    %swap3A_7 = arith.constant 0 : index
    %swap3A_8 = vector.load %arg3[%swap3A, %swap3A_7] : memref<5000x1xf32, #tpu.memory_space<vmem>>, vector<5000x1xf32>
    tpu.vector_store %arg3[%swap3A, %swap3A_7], %broadcast_in_dim3A {strides = array<i32>} : memref<5000x1xf32, #tpu.memory_space<vmem>>, vector<5000x1xf32>,
    return
  }
  func.func @transform_0(%arg0: i32) -> (i32, i32) {
    %c0_i32 = arith.constant 0 : i32
    %c0_i32_0 = arith.constant 0 : i32
    return %arg0, %c0_i32 : i32, i32
  }
  func.func @transform_1(%arg0: i32) -> (i32, i32) {
    %c0_i32 = arith.constant 0 : i32
    %c0_i32_0 = arith.constant 0 : i32
    %c0_i32_1 = arith.constant 0 : i32
    return %c0_i32, %c0_i32_0 : i32, i32
  }
  func.func @transform_2(%arg0: i32) -> (i32, i32) {
    %c0_i32 = arith.constant 0 : i32
    %c0_i32_0 = arith.constant 0 : i32
    return %arg0, %c0_i32 : i32, i32
  }
}

module attributes {stable_mosaic.version = 14 : i64} {
  func.func @_softmax_body(%arg0: i32, %arg1: memref<4096x16xf32, #tpu.memory_space<vmem>>, %arg2: memref<4096x16xf32, #tpu.memory_space<vmem>>, %arg3: memref<1x1xf32, #tpu.memory_space<vmem>>, %arg4: memref<256x200xi32, #tpu.memory_space<vmem>>, %arg5: memref<256x200xf32, #tpu.memory_space<vmem>>, %arg6: memref<4096x1xf32, #tpu.memory_space<vmem>>, %arg7: memref<1xf32, #tpu.memory_space<smem>>) attributes {dimension_semantics = [#tpu.dimension_semantics<arbitrary>], iteration_bounds = array<i64: 16>, scalar_prefetch = 0 : i64, scratch_operands = 2 : i64, tpu.core_type = #tpu.core_type<tc>, window_params = [{pipeline_mode = #tpu.pipeline_mode<synchronous>, transform_indices = @transform_0, window_bounds = array<i64: 4096, 16>}, {pipeline_mode = #tpu.pipeline_mode<synchronous>, transform_indices = @transform_1, window_bounds = array<i64: 4096, 16>}, {pipeline_mode = #tpu.pipeline_mode<synchronous>, transform_indices = @transform_2, window_bounds = array<i64: 1, 1>}, {transform_indices = @transform_3, window_bounds = array<i64: 256, 200>}, {transform_indices = @transform_4, window_bounds = array<i64: 256, 200>}]} {
    %eq3A = arith.constant 0 : i32
    %eq3A_0 = arith.cmpi eq, %arg0, %eq3A : i32
    %convert_element_type3A = arith.extui %eq3A_0 : i1 to i32
    %cond3A = arith.constant 0 : i32
    %cond3A_1 = arith.cmpi ne, %convert_element_type3A, %cond3A : i32
    scf.if %cond3A_1 {
      %get3A_16 = arith.constant 0 : index
      %get3A_17 = arith.constant 0 : index
      %get3A_18 = vector.load %arg1[%get3A_16, %get3A_17] : memref<4096x16xf32, #tpu.memory_space<vmem>>, vector<4096x16xf32>
      %reduce_sum3A = arith.constant dense<0.000000e+00> : vector<4096xf32>
      %reduce_sum3A_19 = vector.multi_reduction <add>, %get3A_18, %reduce_sum3A [1] : vector<4096x16xf32> to vector<4096xf32>
      %broadcast_in_dim3A_20 = vector.shape_cast %reduce_sum3A_19 : vector<4096xf32> to vector<4096x1xf32>
      %get3A_21 = arith.constant 0 : index
      %get3A_22 = arith.constant 0 : index
      %get3A_23 = vector.load %arg2[%get3A_21, %get3A_22] : memref<4096x16xf32, #tpu.memory_space<vmem>>, vector<4096x16xf32>
      %reduce_sum3A_24 = arith.constant dense<0.000000e+00> : vector<4096xf32>
      %reduce_sum3A_25 = vector.multi_reduction <add>, %get3A_23, %reduce_sum3A_24 [1] : vector<4096x16xf32> to vector<4096xf32>
      %broadcast_in_dim3A_26 = vector.shape_cast %reduce_sum3A_25 : vector<4096xf32> to vector<4096x1xf32>
      %add3A = arith.constant 9.99999997E-7 : f32
      %add3A_27 = vector.broadcast %add3A : f32 to vector<4096x1xf32>
      %add3A_28 = arith.addf %add3A_27, %broadcast_in_dim3A_26 : vector<4096x1xf32>
      %div3A = arith.divf %broadcast_in_dim3A_20, %add3A_28 : vector<4096x1xf32>
      %get3A_29 = arith.constant 0 : index
      %get3A_30 = arith.constant 0 : index
      %get3A_31 = vector.load %arg3[%get3A_29, %get3A_30] : memref<1x1xf32, #tpu.memory_space<vmem>>, vector<1x1xf32>
      %get3A_32 = vector.extract %get3A_31[0, 0] : f32 from vector<1x1xf32>
      %add3A_33 = vector.broadcast %get3A_32 : f32 to vector<4096x1xf32>
      %add3A_34 = arith.addf %div3A, %add3A_33 : vector<4096x1xf32>
      %gt3A_35 = arith.constant 0.000000e+00 : f32
      %gt3A_36 = vector.broadcast %gt3A_35 : f32 to vector<4096x1xf32>
      %gt3A_37 = arith.cmpf ogt, %broadcast_in_dim3A_26, %gt3A_36 : vector<4096x1xf32>
      %jit3A = arith.constant -1.000000e+06 : f32
      %broadcast_in_dim3A_38 = vector.broadcast %jit3A : f32 to vector<4096x1xf32>
      %select_n3A_39 = arith.select %gt3A_37, %add3A_34, %broadcast_in_dim3A_38 : vector<4096x1xi1>, vector<4096x1xf32>
      %reduce_sum3A_40 = vector.shape_cast %broadcast_in_dim3A_26 : vector<4096x1xf32> to vector<1x4096x1xf32>
      %reduce_sum3A_41 = arith.constant dense<0.000000e+00> : vector<1xf32>
      %reduce_sum3A_42 = vector.multi_reduction <add>, %reduce_sum3A_40, %reduce_sum3A_41 [1, 2] : vector<1x4096x1xf32> to vector<1xf32>
      %reduce_sum3A_43 = vector.shape_cast %reduce_sum3A_42 : vector<1xf32> to vector<1x1x1xf32>
      %reduce_sum3A_44 = vector.extract %reduce_sum3A_43[0, 0, 0] : f32 from vector<1x1x1xf32>
      %sub3A = arith.constant 8.192000e+05 : f32
      %sub3A_45 = arith.subf %sub3A, %reduce_sum3A_44 : f32
      %reduce_max3A = vector.shape_cast %select_n3A_39 : vector<4096x1xf32> to vector<1x4096x1xf32>
      %reduce_max3A_46 = arith.constant dense<0xFF800000> : vector<1xf32>
      %reduce_max3A_47 = vector.multi_reduction <maximumf>, %reduce_max3A, %reduce_max3A_46 [1, 2] : vector<1x4096x1xf32> to vector<1xf32>
      %reduce_max3A_48 = vector.shape_cast %reduce_max3A_47 : vector<1xf32> to vector<1x1x1xf32>
      %reduce_max3A_49 = vector.extract %reduce_max3A_48[0, 0, 0] : f32 from vector<1x1x1xf32>
      %gt3A_50 = arith.constant 0.000000e+00 : f32
      %gt3A_51 = arith.cmpf ogt, %sub3A_45, %gt3A_50 : f32
      %max3A = arith.constant -1.000000e+06 : f32
      %max3A_52 = arith.maximumf %reduce_max3A_49, %max3A : f32
      %select_n3A_53 = arith.select %gt3A_51, %max3A_52, %reduce_max3A_49 : f32
      %sub3A_54 = vector.broadcast %select_n3A_53 : f32 to vector<4096x1xf32>
      %sub3A_55 = arith.subf %select_n3A_39, %sub3A_54 : vector<4096x1xf32>
      %exp3A = math.exp %sub3A_55 : vector<4096x1xf32>
      %sub3A_56 = arith.constant -1.000000e+06 : f32
      %sub3A_57 = arith.subf %sub3A_56, %select_n3A_53 : f32
      %exp3A_58 = math.exp %sub3A_57 : f32
      %mul3A_59 = arith.mulf %broadcast_in_dim3A_26, %exp3A : vector<4096x1xf32>
      %reduce_sum3A_60 = vector.shape_cast %mul3A_59 : vector<4096x1xf32> to vector<1x4096x1xf32>
      %reduce_sum3A_61 = arith.constant dense<0.000000e+00> : vector<1xf32>
      %reduce_sum3A_62 = vector.multi_reduction <add>, %reduce_sum3A_60, %reduce_sum3A_61 [1, 2] : vector<1x4096x1xf32> to vector<1xf32>
      %reduce_sum3A_63 = vector.shape_cast %reduce_sum3A_62 : vector<1xf32> to vector<1x1x1xf32>
      %reduce_sum3A_64 = vector.extract %reduce_sum3A_63[0, 0, 0] : f32 from vector<1x1x1xf32>
      %mul3A_65 = arith.mulf %sub3A_45, %exp3A_58 : f32
      %add3A_66 = arith.addf %reduce_sum3A_64, %mul3A_65 : f32
      %div3A_67 = vector.broadcast %add3A_66 : f32 to vector<4096x1xf32>
      %div3A_68 = arith.divf %exp3A, %div3A_67 : vector<4096x1xf32>
      %swap3A_69 = arith.constant 0 : index
      %swap3A_70 = arith.constant 0 : index
      %swap3A_71 = vector.load %arg6[%swap3A_69, %swap3A_70] : memref<4096x1xf32, #tpu.memory_space<vmem>>, vector<4096x1xf32>
      tpu.vector_store %arg6[%swap3A_69, %swap3A_70], %div3A_68 {strides = array<i32>} : memref<4096x1xf32, #tpu.memory_space<vmem>>, vector<4096x1xf32>,
      %div3A_72 = arith.divf %exp3A_58, %add3A_66 : f32
      %swap3A_73 = arith.constant 0 : index
      %swap3A_74 = memref.load %arg7[%swap3A_73] : memref<1xf32, #tpu.memory_space<smem>>
      memref.store %div3A_72, %arg7[%swap3A_73] : memref<1xf32, #tpu.memory_space<smem>>
    } else {
    }
    %mul3A = arith.constant 256 : i32
    %mul3A_2 = arith.muli %arg0, %mul3A : i32
    %get3A = arith.index_cast %mul3A_2 : i32 to index
    %get3A_3 = arith.constant 0 : index
    %get3A_4 = vector.load %arg6[%get3A, %get3A_3] : memref<4096x1xf32, #tpu.memory_space<vmem>>, vector<256x1xf32>
    %get3A_5 = arith.constant 0 : index
    %get3A_6 = arith.constant 0 : index
    %get3A_7 = vector.load %arg4[%get3A_5, %get3A_6] : memref<256x200xi32, #tpu.memory_space<vmem>>, vector<256x200xi32>
    %gt3A = arith.constant 0 : i32
    %gt3A_8 = vector.broadcast %gt3A : i32 to vector<256x200xi32>
    %gt3A_9 = arith.cmpi sgt, %get3A_7, %gt3A_8 : vector<256x200xi32>
    %get3A_10 = arith.constant 0 : index
    %get3A_11 = memref.load %arg7[%get3A_10] : memref<1xf32, #tpu.memory_space<smem>>
    %broadcast_in_dim3A = vector.shape_cast %get3A_4 : vector<256x1xf32> to vector<256x1xf32>
    %broadcast_in_dim3A_12 = vector.broadcast %broadcast_in_dim3A : vector<256x1xf32> to vector<256x200xf32>
    %broadcast_in_dim3A_13 = vector.broadcast %get3A_11 : f32 to vector<256x200xf32>
    %select_n3A = arith.select %gt3A_9, %broadcast_in_dim3A_12, %broadcast_in_dim3A_13 : vector<256x200xi1>, vector<256x200xf32>
    %swap3A = arith.constant 0 : index
    %swap3A_14 = arith.constant 0 : index
    %swap3A_15 = vector.load %arg5[%swap3A, %swap3A_14] : memref<256x200xf32, #tpu.memory_space<vmem>>, vector<256x200xf32>
    tpu.vector_store %arg5[%swap3A, %swap3A_14], %select_n3A {strides = array<i32>} : memref<256x200xf32, #tpu.memory_space<vmem>>, vector<256x200xf32>,
    return
  }
  func.func @transform_0(%arg0: i32) -> (i32, i32) {
    %c0_i32 = arith.constant 0 : i32
    %c0_i32_0 = arith.constant 0 : i32
    %c0_i32_1 = arith.constant 0 : i32
    return %c0_i32, %c0_i32_0 : i32, i32
  }
  func.func @transform_1(%arg0: i32) -> (i32, i32) {
    %c0_i32 = arith.constant 0 : i32
    %c0_i32_0 = arith.constant 0 : i32
    %c0_i32_1 = arith.constant 0 : i32
    return %c0_i32, %c0_i32_0 : i32, i32
  }
  func.func @transform_2(%arg0: i32) -> (i32, i32) {
    %c0_i32 = arith.constant 0 : i32
    %c0_i32_0 = arith.constant 0 : i32
    %c0_i32_1 = arith.constant 0 : i32
    return %c0_i32, %c0_i32_0 : i32, i32
  }
  func.func @transform_3(%arg0: i32) -> (i32, i32) {
    %c0_i32 = arith.constant 0 : i32
    %c0_i32_0 = arith.constant 0 : i32
    return %arg0, %c0_i32 : i32, i32
  }
  func.func @transform_4(%arg0: i32) -> (i32, i32) {
    %c0_i32 = arith.constant 0 : i32
    %c0_i32_0 = arith.constant 0 : i32
    return %arg0, %c0_i32 : i32, i32
  }
}

</mosaic_0001>

<sc_bundles>
// kernel: kernel.5.cloned.1.call-start
scs
__scs_entry_jumppad:
0x0: {  	(pc) =	sbr.rel $0x88, $3  }
0x1: {  	(tag) =	ssettag $0x0;
	lr =	simm.s32 $0x1  }
0x2: {  	[smem:$0x3F9D] =	sst lr;
	_ =	strace $0xD0000000  }
0x3: {  	_ = 	snop  }
0x4: {  	_ = 	snop  }
0x5: {  	_ = 	snop  }
0x6: {  	_ = 	snop  }
0x7: {  	_ = 	snop  }
__scs_overlays_trampoline_lowered:
0x8: {  	[smem:$0x3FAC] =	sst s0  }
0x9: {  	[smem:$0x3FAD] =	sst s1  }
0xa: {  	[smem:$0x3FAE] =	sst s2  }
0xb: {  	[smem:$0x3FAF] =	sst s3  }
0xc: {  	[smem:$0x3FB0] =	sst s4  }
0xd: {  	[smem:$0x3FB1] =	sst s5  }
0xe: {  	[smem:$0x3FB2] =	sst s6  }
0xf: {  	[smem:$0x3FB3] =	sst s7  }
0x10: {  	[smem:$0x3FB4] =	sst s8  }
0x11: {  	[smem:$0x3FB5] =	sst s9;
	s0 =	simm.s32 @!p0 $0x0  }
0x12: {  	s1 =	sld [smem:$0x3F9B];
	s0 =	simm.s32 @p0 $0x1  }
0x13: {  	[smem:$0x3FB6] =	sst s0;
	s0 =	simm.s32 @!p1 $0x0  }
0x14: {  	s2 =	sld [smem:$0x3F9A];
	s0 =	simm.s32 @p1 $0x1  }
0x15: {  	[smem:$0x3FB7] =	sst s0;
	s0 =	simm.s32 @!p2 $0x0  }
0x16: {  	s3 =	sld [smem:$0x3FDB];
	s0 =	simm.s32 @p2 $0x1  }
0x17: {  	s4 =	simm.s32 $0x1BF5;
	[smem:$0x3FB9] =	sst s0  }
0x18: {  	s0 =	sld [smem:$0x3F9C];
	_ =	swait.ge [sflag:s4], $0x0  }
0x19: {  	s7 =	sld [smem:$0x3F9D]  }
0x1a: {  	s8 =	sadd.s32 $0xFFFFE003, lr  }
0x1b: {  	s9 =	sadd.s32 $0xFFFFFEF7, lr;
	s5 =	simm.s32 $0xFFFFFFFF;
	p2 =	slt.u32 s8, $0xFFFFF086  }
0x1c: {  	p1 =	slt.u32 s9, $0xF7A;
	s5 =	simm.s32 @!p2 $0x0  }
0x1d: {  	s5 =	simm.s32 @p1 $0x1;
	p0 =	seq.s32 s7, s2  }
0x1e: {  	s7 =	smul.u32 @!p0 $0xF7A, s2;
	p2 =	seq.s32 @!p0 s5, $0x0  }
0x1f: {  	s9 =	smul.u32 $0xF7A, s1;
	s8 =	simm.s32 @!p0 $0x1BF5;
	p2 =	por !p2, p0  }
0x20: {  	[sflag:s8] =	ssyncset.s32 @!p0 $0xFFFFF086;
	s6 =	sadd.s32 @!p0 s3, s7;
	s7 =	simm.s32 @!p0 $0x108  }
0x21: {  	s3 =	sadd.s32 s3, s9;
	s6 =	sadd.s32 @!p0 $0x88, s6;
	s7 =	simm.s32 @p2 $0x1082  }
0x22: {  	[simem:s7], [sflag:s8] =	dma.local @!p0 [hbm:s6], $0xF7A  }
0x23: {  	s9 =	sor.u32 $0xD0000000, s2;
	s6 =	simm.s32 $0x108;
	_ =	swait.ge @!p0 [sflag:s8], $0x0  }
0x24: {  	s3 =	sadd.s32 $0x88, s3;
	s6 =	simm.s32 @!p1 $0x1082;
	[sflag:s4] =	ssyncset.s32 $0xFFFFF086  }
0x25: {  	[simem:s6], [sflag:s4] =	dma.local [hbm:s3], $0xF7A  }
0x26: {  	[smem:$0x3F9D] =	sst s1;
	(tag) =	ssettag s2;
	_ =	strace s9  }
0x27: {  	s1 =	sld [smem:$0x3FAD]  }
0x28: {  	s2 =	sld [smem:$0x3FAE]  }
0x29: {  	s4 =	sld [smem:$0x3FB0]  }
0x2a: {  	p0 =	seq.s32 s5, $0x0;
	s5 =	sld [smem:$0x3FB1]  }
0x2b: {  	s6 =	sld [smem:$0x3FB2]  }
0x2c: {  	s7 =	sld [smem:$0x3FB3]  }
0x2d: {  	s3 =	simm.s32 $0x108;
	s8 =	sld [smem:$0x3FB4]  }
0x2e: {  	s3 =	simm.s32 @!p0 $0x1082;
	s9 =	sld [smem:$0x3FB5]  }
0x2f: {  	lr =	sadd.s32 s0, s3;
	s0 =	sld [smem:$0x3FAC]  }
0x30: {  	s3 =	sld [smem:$0x3FAF]  }
0x31: {  	[smem:$0x3FB8] =	sst s10  }
0x32: {  	s10 =	sld [smem:$0x3FB6];
	_ =	sdelay $0x3  }
0x33: {  	p0 =	seq.s32 s10, $0x1;
	s10 =	sld [smem:$0x3FB8];
	_ =	sdelay $0x3  }
0x34: {  	[smem:$0x3FB8] =	sst s10  }
0x35: {  	s10 =	sld [smem:$0x3FB7];
	_ =	sdelay $0x3  }
0x36: {  	p1 =	seq.s32 s10, $0x1;
	s10 =	sld [smem:$0x3FB8];
	_ =	sdelay $0x3  }
0x37: {  	[smem:$0x3FB8] =	sst s10  }
0x38: {  	s10 =	sld [smem:$0x3FB9]  }
0x39: {  	_ = 	snop;
	(pc) =	sbr.ind lr, $3  }
0x3a: {  	_ = 	snop  }
0x3b: {  	_ = 	snop  }
0x3c: {  	p2 =	seq.s32 s10, $0x1;
	s10 =	sld [smem:$0x3FB8]  }
0x3d: {  	_ =	shalt  }
0x3e: {  	_ =	shalt  }
0x3f: {  	_ =	shalt  }
0x40: {  	_ =	shalt  }
0x41: {  	_ =	shalt  }
0x42: {  	_ =	shalt  }
0x43: {  	_ =	shalt  }
0x44: {  	_ =	shalt  }
0x45: {  	_ =	shalt  }
0x46: {  	_ =	shalt  }
0x47: {  	_ =	shalt  }
0x48: {  	_ =	shalt  }
0x49: {  	_ =	shalt  }
0x4a: {  	_ =	shalt  }
0x4b: {  	_ =	shalt  }
0x4c: {  	_ =	shalt  }
0x4d: {  	_ =	shalt  }
0x4e: {  	_ =	shalt  }
0x4f: {  	_ =	shalt  }
0x50: {  	_ =	shalt  }
0x51: {  	_ =	shalt  }
0x52: {  	_ =	shalt  }
0x53: {  	_ =	shalt  }
0x54: {  	_ =	shalt  }
0x55: {  	_ =	shalt  }
0x56: {  	_ =	shalt  }
0x57: {  	_ =	shalt  }
0x58: {  	_ =	shalt  }
0x59: {  	_ =	shalt  }
0x5a: {  	_ =	shalt  }
0x5b: {  	_ =	shalt  }
0x5c: {  	_ =	shalt  }
0x5d: {  	_ =	shalt  }
0x5e: {  	_ =	shalt  }
0x5f: {  	_ =	shalt  }
0x60: {  	_ =	shalt  }
0x61: {  	_ =	shalt  }
0x62: {  	_ =	shalt  }
0x63: {  	_ =	shalt  }
0x64: {  	_ =	shalt  }
0x65: {  	_ =	shalt  }
0x66: {  	_ =	shalt  }
0x67: {  	_ =	shalt  }
0x68: {  	_ =	shalt  }
0x69: {  	_ =	shalt  }
0x6a: {  	_ =	shalt  }
0x6b: {  	_ =	shalt  }
0x6c: {  	_ =	shalt  }
0x6d: {  	_ =	shalt  }
0x6e: {  	_ =	shalt  }
0x6f: {  	_ =	shalt  }
0x70: {  	_ =	shalt  }
0x71: {  	_ =	shalt  }
0x72: {  	_ =	shalt  }
0x73: {  	_ =	shalt  }
0x74: {  	_ =	shalt  }
0x75: {  	_ =	shalt  }
0x76: {  	_ =	shalt  }
0x77: {  	_ =	shalt  }
0x78: {  	_ =	shalt  }
0x79: {  	_ =	shalt  }
0x7a: {  	_ =	shalt  }
0x7b: {  	_ =	shalt  }
0x7c: {  	_ =	shalt  }
0x7d: {  	_ =	shalt  }
0x7e: {  	_ =	shalt  }
0x7f: {  	_ =	shalt  }
0x80: {  	_ =	shalt  }
0x81: {  	_ =	shalt  }
0x82: {  	_ =	shalt  }
0x83: {  	_ =	shalt  }
0x84: {  	_ =	shalt  }
0x85: {  	_ =	shalt  }
0x86: {  	_ =	shalt  }
0x87: {  	_ =	shalt  }
.Lfunc_end0:
.L_simem_size_0:
called_computation_lowered:
.L_overlay_start_0:
0x88: {  	s2 =	sld [smem:$0x3FD9]  }
0x89: {  	s3 =	sld [smem:$0x3FFE];
	_ =	sdelay $0x1  }
0x8a: {  	s1 =	srdreg.scid  }
0x8b: {  	s0 =	sand.u32 $0x1, s1  }
0x8c: {  	s17 =	sshll.u32 s0, $0xA;
	s2 =	sadd.s32 s3, s2  }
0x8d: {  	s2 =	sadd.s32 s2, s17  }
0x8e: {  	[smem:$0x3FC4] =	sst s2  }
0x8f: {  	_ = 	snop  }
0x90: {  	s2 =	sld [smem:$0x3FD0];
	(tm) =	ssettm $0x1  }
0x91: {  	s18 =	sld [smem:$0x3FFB];
	_ =	sdelay $0x3  }
0x92: {  	_ =	strace s18  }
0x93: {  	s3 =	sld [smem:$0x3FFC];
	_ =	sdelay $0x3  }
0x94: {  	_ =	strace s3  }
0x95: {  	s3 =	sld [smem:$0x3FFD];
	_ =	sdelay $0x3  }
0x96: {  	_ =	strace s3  }
0x97: {  	_ =	strace $0x8FFFFFFF  }
0x98: {  	s19 =	sld [smem:$0x3FDB];
	_ =	sdelay $0x1  }
0x99: {  	s4 =	simm.s32 $_scs_section_size  }
0x9a: {  	s5 =	simm.s32 $_size__tile_overlayer_lowered;
	s6 =	simm.s32 $_tile_overlayer_lowered  }
0x9b: {  	s22 =	simm.s32 $0x1BFF;
	s21 =	sshll.u32 s6, $0x1;
	s3 =	sadd.s32 s4, s19  }
0x9c: {  	s7 =	simm.s32 $0x0;
	s20 =	sshll.u32 s5, $0x1;
	s5 =	sadd.s32 s21, s3  }
0x9d: {  	[timem:s7], [sflag:s22] =	dma.local [hbm:s5], s20  }
0x9e: {  	_ =	swait.ge [sflag:s22], s20  }
0x9f: {  	s4 =	ssub.s32 $0x0, s20;
	[sflag:s22] =	ssyncset.done $0x0  }
0xa0: {  	[sflag:s22] =	ssyncadd.s32 s4;
	_ =	sdelay $0x1  }
0xa1: {  	s23 =	simm.s32 $0x1B8B  }
0xa2: {  	_ =	swait.ge [sflag:s23], $0x1  }
0xa3: {  	[sflag:s23] =	ssyncset.done $0x0  }
0xa4: {  	s25 =	simm.s32 $0x1B8E;
	s24 =	sld [smem:$0x3FFE];
	[sflag:s23] =	ssyncadd.s32 $0xFFFFFFFF  }
0xa5: {  	s26 =	simm.s32 $execute0_lowered;
	[smem:$0x3FD2] =	sst s25  }
0xa6: {  	s5 =	sshll.u32 s26, $0x1;
	_ =	strace $0x80000046;
	[dreg:$0x1] =	wrdreg $0xFFFFFFFF  }
0xa7: {  	s28 =	simm.s32 $_size_execute0_lowered;
	s3 =	sadd.s32 s3, s5;
	[dreg:$0x0] =	wrdreg $0x0  }
0xa8: {  	s5 =	sshll.u32 s28, $0x1;
	[dreg:$0x2] =	wrdreg s3  }
0xa9: {  	[dreg:$0x3] =	wrdreg s5  }
0xaa: {  	[dreg:$0x4] =	wrdreg $0xC0  }
0xab: {  	_ =	task [dreg:s7], $0x5FFFF  }
0xac: {  	[dreg:$0x1] =	wrdreg $0xFFFFFFFF  }
0xad: {  	[dreg:$0x0] =	wrdreg $0x60  }
0xae: {  	[dreg:$0x2] =	wrdreg s24  }
0xaf: {  	[dreg:$0x3] =	wrdreg s2  }
0xb0: {  	[dreg:$0x4] =	wrdreg $0x9  }
0xb1: {  	_ =	task.clear_ibuf [dreg:s7], $0x5FFFF;
	_ =	strace $0x90000046  }
0xb2: {  	s29 =	simm.s32 $0x9;
	_ =	strace $0x80000048  }
0xb3: {  	_ =	swait.ge [sflag:s29], $0x1  }
0xb4: {  	[sflag:s29] =	ssyncadd.s32 $0xFFFFFFFF  }
0xb5: {  	_ =	strace $0x90000048  }
0xb6: {  	_ =	sfence  }
0xb7: {  	s30 =	sld [smem:$0x0];
	_ =	sdelay $0x2  }
0xb8: {  	s31 =	sshll.u32 s1, $0xD;
	s1 =	sshrl.u32 s1, $0x2  }
0xb9: {  	s3 =	sand.u32 $0x4000, s31;
	s1 =	sadd.s32 s1, s30  }
0xba: {  	s0 =	sor.u32 s3, s0;
	s1 =	sshll.u32 s1, $0x11  }
0xbb: {  	s0 =	sor.u32 s1, s0  }
0xbc: {  	s0 =	sadd.s32 $0x8F2B, s0  }
0xbd: {  	[sflag:s0] =	ssyncadd.remote.s32 $0x1  }
0xbe: {  	_ =	sfence.sel $0xFFFF  }
0xbf: {  	[dreg:$0x0] =	wrdreg $0xFFFFFFFF;
	(pc) =	sbr.abs _section_cstart, $3  }
0xc0: {  	[dreg:$0x1] =	wrdreg $0xFFFFFFFF  }
0xc1: {  	_ =	task.clear_ibuf [dreg:s7], $0x2FFFF;
	_ =	strace $0x9FFFFFFF  }
0xc2: {  	(tm) =	ssettm $0x7FFFFFFF  }
0xc3: {  	_ =	shalt  }
tec
execute0_lowered:
.L_overlay_start_1:
0x0: {  	(tag) =	ssettag $0x1  }
0x1: {  	s4 =	rddreg [dreg:$0x0];
	s1 =	srdreg.scid  }
0x2: {  	s0 =	stileid.u32;
	s5 =	rddreg [dreg:$0x1]  }
0x3: {  	s2 =	simm.s32 $0x0;
	s11 =	simm.s32 $0x1;
	s12 =	simm.s32 $0x18700  }
0x4: {  	s13 =	simm.s32 $0x1A080;
	s14 =	simm.s32 $0x1A880;
	s15 =	simm.s32 $0x0  }
0x5: {  	s6 =	sand.u32 $0x1, s1;
	s3 =	sshll.u32 s0, $0x1;
	s1 =	rddreg [dreg:$0x2]  }
0x6: {  	[smem:$0x7FF] =	sst s2;
	s7 =	sor.u32 s6, s3;
	s6 =	ssub.s32 $0x2, s6  }
0x7: {  	_ =	strace $0x80000047;
	s8 =	smul.u32 $0x6400, s7;
	s31 =	sshrl.u32 s6, $0x1  }
0x8: {  	s3 =	sadd.s32 $0x800, s4;
	s7 =	sshll.u32 s7, $0x8;
	s10 =	ssub.s32 s6, s31  }
0x9: {  	s9 =	sadd.s32 s7, s4;
	s8 =	sshrl.u32 s8, $0x3;
	s10 =	smax.u32 s10, $0x1  }
0xa: {  	v0 =	vimm.f32 $0.0e+00;
	vm1 =	vcmask $0x1F00;
	s4 =	sadd.s32 s5, s8;
	s8 =	sadd.s32 $0x3A00, s9;
	s9 =	sadd.s32 $0x5A00, s9  }
0xb: {  	vm0 =	vmmov $0xff;
	v1 =	vsel vm1, $0x3F800000, v0;
	s5 =	sadd.s32 $0x320, s4;
	s6 =	sadd.s32 $0x640, s4;
	s7 =	sadd.s32 $0x960, s4  }
.LBB2_1:
0xc: {  	[tilespmem:s2], [sflag:$0x1] =	stream.linear.gather [hbm4b:s3+s2], $0x18700, $0x38;
	[tilespmem:$0x1B080] =	vst v63  }
0xd: {  	_ =	swait.ge [sflag:s11], $0x18700  }
0xe: {  	[sflag:s11] =	ssyncset.done $0x0  }
0xf: {  	[sflag:s11] =	ssyncadd.s32 $0xFFFE7900  }
0x10: {  	[tilespmem:s12], [sflag:$0x1] =	stream.linear.gather [hbm4b:s4+s2], $0x1900, $0x38;
	[tilespmem:$0x1B080] =	vst v63  }
0x11: {  	_ =	swait.ge [sflag:s11], $0x1900  }
0x12: {  	[sflag:s11] =	ssyncset.done $0x0  }
0x13: {  	s16 =	simm.s32 $0x18760;
	[sflag:s11] =	ssyncadd.s32 $0xFFFFE700  }
0x14: {  	v2 =	vld [tilespmem:s16+$0xFFFFFFA0];
	_ =	sdelay $0x1  }
0x15: {  	v3 =	vld [tilespmem:s16+$0xFFFFFFB0];
	_ =	sdelay $0x1  }
0x16: {  	v4 =	vld [tilespmem:s16+$0xFFFFFFC0]  }
0x17: {  	vm2 =	vgt.s32 v2, $0x0  }
0x18: {  	v5 =	vld [tilespmem:s16+$0xFFFFFFD0];
	v2 =	vnsel vm2, $0x0, v2  }
0x19: {  	vm4 =	vgt.s32 v3, $0x0  }
0x1a: {  	v6 =	vld [tilespmem:s16+$0xFFFFFFE0];
	v3 =	vnsel vm4, $0x0, v3  }
0x1b: {  	v7 =	vld [tilespmem:s16+$0xFFFFFFF0];
	vm6 =	vgt.s32 v4, $0x0  }
0x1c: {  	v8 =	vld [tilespmem:s16+$0x0];
	v4 =	vnsel vm6, $0x0, v4  }
0x1d: {  	s17 =	sand.u32 $0x1FF8, s2;
	vm7 =	vgt.s32 v5, $0x0;
	v2 =	vld.idx.msk [tilespmem:v2+s2+$0x0], $0xffff  }
0x1e: {  	v10 =	vld [tilespmem:s17+$0x18780];
	v5 =	vnsel vm7, $0x0, v5  }
0x1f: {  	vm5 =	vgt.s32 v6, $0x0;
	v3 =	vld.idx.msk [tilespmem:v3+s2+$0x0], $0xffff  }
0x20: {  	v9 =	vld [tilespmem:s16+$0x10];
	v6 =	vnsel vm5, $0x0, v6  }
0x21: {  	vm3 =	vgt.s32 v7, $0x0;
	v4 =	vld.idx.msk [tilespmem:v4+s2+$0x0], $0xffff  }
0x22: {  	v12 =	vld [tilespmem:s16+$0x30];
	v7 =	vnsel vm3, $0x0, v7;
	v2 =	vadd.f32 $0.0e+00, v2  }
0x23: {  	vm1 =	vgt.s32 v8, $0x0;
	vm12 =	vgt.s32 v10, $0x0;
	v11 =	vsel vm2, $0x3F800000, v0;
	v5 =	vld.idx.msk [tilespmem:v5+s2+$0x0], $0xffff  }
0x24: {  	v41 =	vld [tilespmem:s16+$0x40];
	v8 =	vnsel vm1, $0x0, v8;
	v3 =	vnsel vm4, $0x0, v3;
	v2 =	vnsel vm2, $0x0, v2  }
0x25: {  	v13 =	vsel vm4, $0x3F800000, v0;
	v6 =	vld.idx.msk [tilespmem:v6+s2+$0x0], $0xffff;
	vm2 =	vgt.s32 v9, $0x0;
	v2 =	vadd.f32 v3, v2  }
0x26: {  	v14 =	vld [tilespmem:s16+$0x50];
	v11 =	vadd.f32 v13, v11;
	v4 =	vnsel vm6, $0x0, v4;
	v3 =	vnsel vm2, $0x0, v9  }
0x27: {  	vm13 =	vgt.s32 v12, $0x0;
	v42 =	vsel vm6, $0x3F800000, v0;
	v7 =	vld.idx.msk [tilespmem:v7+s2+$0x0], $0xffff;
	v2 =	vadd.f32 v4, v2  }
0x28: {  	v44 =	vld [tilespmem:s16+$0x60];
	v43 =	vnsel vm12, $0x0, v10;
	v11 =	vadd.f32 v42, v11;
	v5 =	vnsel vm7, $0x0, v5  }
0x29: {  	vm14 =	vgt.s32 v41, $0x0;
	v45 =	vsel vm7, $0x3F800000, v0;
	v8 =	vld.idx.msk [tilespmem:v8+s2+$0x0], $0xffff;
	v2 =	vadd.f32 v5, v2  }
0x2a: {  	v46 =	vnsel vm13, $0x0, v12;
	v11 =	vadd.f32 v45, v11;
	v6 =	vnsel vm5, $0x0, v6  }
0x2b: {  	vm15 =	vgt.s32 v14, $0x0;
	v47 =	vsel vm5, $0x3F800000, v0;
	v3 =	vld.idx.msk [tilespmem:v3+s2+$0x0], $0xffff;
	v2 =	vadd.f32 v6, v2  }
0x2c: {  	v48 =	vnsel vm14, $0x0, v41;
	v49 =	vadd.f32 v47, v11;
	v7 =	vnsel vm3, $0x0, v7  }
0x2d: {  	v50 =	vsel vm3, $0x3F800000, v0;
	v51 =	vnsel vm15, $0x0, v14;
	v4 =	vld.idx.msk [tilespmem:v43+s2+$0x0], $0xffff;
	v2 =	vadd.f32 v7, v2  }
0x2e: {  	vm3 =	vgt.s32 v44, $0x0;
	v8 =	vnsel vm1, $0x0, v8;
	v9 =	vadd.f32 v50, v49  }
0x2f: {  	v52 =	vsel vm1, $0x3F800000, v0;
	vm1 =	vmand vm3, vm0;
	v5 =	vld.idx.msk [tilespmem:v46+s2+$0x0], $0xffff;
	v2 =	vadd.f32 v8, v2  }
0x30: {  	v53 =	vnsel vm1, $0x0, v44;
	v9 =	vadd.f32 v52, v9;
	v3 =	vnsel vm2, $0x0, v3  }
0x31: {  	v54 =	vsel vm2, $0x3F800000, v0;
	v6 =	vld.idx.msk [tilespmem:v48+s2+$0x0], $0xffff;
	v2 =	vadd.f32 v3, v2  }
0x32: {  	v4 =	vnsel vm12, $0x0, v4;
	v3 =	vadd.f32 v54, v9  }
0x33: {  	v55 =	vsel vm12, $0x3F800000, v0;
	v7 =	vld.idx.msk [tilespmem:v51+s2+$0x0], $0xffff;
	v2 =	vadd.f32 v4, v2  }
0x34: {  	v56 =	vnsel vm13, $0x0, v5;
	v3 =	vadd.f32 v55, v3  }
0x35: {  	v57 =	vsel vm13, $0x3F800000, v0;
	v8 =	vld.idx.msk [tilespmem:v53+s2+$0x0], $0xffff;
	v2 =	vadd.f32 v56, v2  }
0x36: {  	v58 =	vnsel vm14, $0x0, v6;
	v3 =	vadd.f32 v57, v3  }
0x37: {  	v59 =	vsel vm14, $0x3F800000, v0;
	v2 =	vadd.f32 v58, v2  }
0x38: {  	v60 =	vnsel vm15, $0x0, v7;
	v3 =	vadd.f32 v59, v3  }
0x39: {  	v61 =	vsel vm15, $0x3F800000, v0;
	v2 =	vadd.f32 v60, v2  }
0x3a: {  	v62 =	vnsel vm1, $0x0, v8;
	v3 =	vadd.f32 v61, v3  }
0x3b: {  	v63 =	vnsel vm3, $0x0, v1;
	v2 =	vadd.f32 v62, v2  }
0x3c: {  	v3 =	vadd.f32 v63, v3  }
0x3d: {  	[tilespmem:s13+$0x0] =	vst v2  }
0x3e: {  	s18 =	simm.s32 $0x18828;
	[tilespmem:s14+$0x0] =	vst v3  }
0x3f: {  	s19 =	simm.s32 $0xC8;
	v2 =	vld [tilespmem:s18+$0xFFFFFFA0]  }
0x40: {  	s20 =	simm.s32 $0x190;
	s17 =	simm.s32 $0x1A080;
	s16 =	simm.s32 $0x1A880  }
.LBB2_2:
0x41: {  	p0 =	sne.s32 s20, $0x1838;
	v3 =	vld [tilespmem:s18+$0xFFFFFFB0];
	_ =	sdelay $0x1  }
0x42: {  	v4 =	vld [tilespmem:s18+$0xFFFFFFC0]  }
0x43: {  	vm3 =	vgt.s32 v2, $0x0  }
0x44: {  	v2 =	vnsel vm3, $0x0, v2;
	v5 =	vsel vm3, $0x3F800000, v0;
	v6 =	vld [tilespmem:s18+$0xFFFFFFD0]  }
0x45: {  	vm7 =	vgt.s32 v3, $0x0  }
0x46: {  	v3 =	vnsel vm7, $0x0, v3;
	v7 =	vsel vm7, $0x3F800000, v0;
	v8 =	vld [tilespmem:s18+$0xFFFFFFE0]  }
0x47: {  	vm6 =	vgt.s32 v4, $0x0;
	v9 =	vld [tilespmem:s18+$0x50]  }
0x48: {  	v4 =	vnsel vm6, $0x0, v4;
	v10 =	vsel vm6, $0x3F800000, v0;
	v11 =	vld [tilespmem:s18+$0xFFFFFFF0]  }
0x49: {  	v2 =	vld.idx.msk [tilespmem:v2+s2+$0x0], $0xffff;
	vm5 =	vgt.s32 v6, $0x0  }
0x4a: {  	v6 =	vnsel vm5, $0x0, v6;
	v12 =	vsel vm5, $0x3F800000, v0;
	v13 =	vld [tilespmem:s18+$0x0]  }
0x4b: {  	v3 =	vld.idx.msk [tilespmem:v3+s2+$0x0], $0xffff;
	vm4 =	vgt.s32 v8, $0x0  }
0x4c: {  	v8 =	vnsel vm4, $0x0, v8;
	v14 =	vsel vm4, $0x3F800000, v0;
	v15 =	vld [tilespmem:s18+$0x10]  }
0x4d: {  	s21 =	sand.u32 $0x1FF8, s19;
	s19 =	smov.u32 s20;
	v4 =	vld.idx.msk [tilespmem:v4+s2+$0x0], $0xffff;
	vm1 =	vgt.s32 v11, $0x0  }
0x4e: {  	v11 =	vnsel vm1, $0x0, v11;
	v16 =	vsel vm1, $0x3F800000, v0;
	v17 =	vld [tilespmem:s21+$0x18780]  }
0x4f: {  	v2 =	vadd.f32 $0.0e+00, v2;
	v6 =	vld.idx.msk [tilespmem:v6+s2+$0x0], $0xffff;
	vm2 =	vgt.s32 v13, $0x0  }
0x50: {  	v13 =	vnsel vm2, $0x0, v13;
	v18 =	vsel vm2, $0x3F800000, v0;
	v19 =	vld [tilespmem:s18+$0x30]  }
0x51: {  	v2 =	vnsel vm3, $0x0, v2;
	v3 =	vnsel vm7, $0x0, v3;
	v8 =	vld.idx.msk [tilespmem:v8+s2+$0x0], $0xffff;
	vm3 =	vgt.s32 v15, $0x0  }
0x52: {  	v2 =	vadd.f32 v3, v2;
	v3 =	vnsel vm3, $0x0, v15;
	v15 =	vsel vm3, $0x3F800000, v0;
	v20 =	vld [tilespmem:s18+$0x40]  }
0x53: {  	v5 =	vadd.f32 v7, v5;
	v4 =	vnsel vm6, $0x0, v4;
	v7 =	vld.idx.msk [tilespmem:v11+s2+$0x0], $0xffff;
	vm6 =	vgt.s32 v17, $0x0  }
0x54: {  	v2 =	vadd.f32 v4, v2;
	v4 =	vnsel vm6, $0x0, v17;
	v11 =	vsel vm6, $0x3F800000, v0;
	v17 =	vld [tilespmem:s18+$0x60]  }
0x55: {  	v5 =	vadd.f32 v10, v5;
	v6 =	vnsel vm5, $0x0, v6;
	v10 =	vld.idx.msk [tilespmem:v13+s2+$0x0], $0xffff;
	vm5 =	vgt.s32 v19, $0x0  }
0x56: {  	v2 =	vadd.f32 v6, v2;
	v6 =	vnsel vm5, $0x0, v19;
	v13 =	vsel vm5, $0x3F800000, v0  }
0x57: {  	v5 =	vadd.f32 v12, v5;
	v8 =	vnsel vm4, $0x0, v8;
	v3 =	vld.idx.msk [tilespmem:v3+s2+$0x0], $0xffff;
	vm4 =	vgt.s32 v20, $0x0  }
0x58: {  	v2 =	vadd.f32 v8, v2;
	v8 =	vnsel vm4, $0x0, v20;
	v12 =	vsel vm4, $0x3F800000, v0  }
0x59: {  	v5 =	vadd.f32 v14, v5;
	v7 =	vnsel vm1, $0x0, v7;
	vm1 =	vgt.s32 v9, $0x0;
	v4 =	vld.idx.msk [tilespmem:v4+s2+$0x0], $0xffff  }
0x5a: {  	v2 =	vadd.f32 v7, v2;
	v7 =	vnsel vm1, $0x0, v9;
	vm7 =	vgt.s32 v17, $0x0  }
0x5b: {  	v5 =	vadd.f32 v16, v5;
	v9 =	vnsel vm2, $0x0, v10;
	vm2 =	vmand vm7, vm0;
	v6 =	vld.idx.msk [tilespmem:v6+s2+$0x0], $0xffff  }
0x5c: {  	v2 =	vadd.f32 v9, v2;
	v9 =	vsel vm1, $0x3F800000, v0;
	v10 =	vnsel vm2, $0x0, v17  }
0x5d: {  	v5 =	vadd.f32 v18, v5;
	v14 =	vnsel vm7, $0x0, v1;
	v3 =	vnsel vm3, $0x0, v3;
	v8 =	vld.idx.msk [tilespmem:v8+s2+$0x0], $0xffff  }
0x5e: {  	v2 =	vadd.f32 v3, v2  }
0x5f: {  	v3 =	vadd.f32 v15, v5;
	v4 =	vnsel vm6, $0x0, v4;
	v5 =	vld.idx.msk [tilespmem:v7+s2+$0x0], $0xffff  }
0x60: {  	v2 =	vadd.f32 v4, v2  }
0x61: {  	v3 =	vadd.f32 v11, v3;
	v4 =	vnsel vm5, $0x0, v6;
	v6 =	vld.idx.msk [tilespmem:v10+s2+$0x0], $0xffff  }
0x62: {  	v2 =	vadd.f32 v4, v2  }
0x63: {  	v3 =	vadd.f32 v13, v3;
	v4 =	vnsel vm4, $0x0, v8  }
0x64: {  	v2 =	vadd.f32 v4, v2  }
0x65: {  	v3 =	vadd.f32 v12, v3;
	v4 =	vnsel vm1, $0x0, v5  }
0x66: {  	v2 =	vadd.f32 v4, v2  }
0x67: {  	v3 =	vadd.f32 v9, v3;
	v4 =	vnsel vm2, $0x0, v6  }
0x68: {  	v2 =	vadd.f32 v4, v2  }
.Ltmp0:
0x69: {  	s17 =	sadd.s32 $0x10, s17;
	v3 =	vadd.f32 v14, v3;
	(pc) =	sbr.rel @p0 .LBB2_2-.Ltmp0, $4  }
0x6a: {  	s16 =	sadd.s32 $0x10, s16;
	[tilespmem:s17+$0x0] =	vst v2  }
0x6b: {  	s18 =	sadd.s32 $0xC8, s18;
	[tilespmem:s16+$0x0] =	vst v3  }
0x6c: {  	v2 =	vld [tilespmem:s18+$0xFFFFFFA0]  }
0x6d: {  	s20 =	sadd.s32 $0xC8, s20  }
0x6e: {  	v3 =	vld [tilespmem:s18+$0xFFFFFFB0];
	_ =	sdelay $0x1  }
0x6f: {  	v4 =	vld [tilespmem:s18+$0xFFFFFFC0]  }
0x70: {  	vm2 =	vgt.s32 v2, $0x0  }
0x71: {  	v5 =	vld [tilespmem:s18+$0xFFFFFFD0];
	v2 =	vnsel vm2, $0x0, v2  }
0x72: {  	vm4 =	vgt.s32 v3, $0x0  }
0x73: {  	v6 =	vld [tilespmem:s18+$0xFFFFFFE0];
	v3 =	vnsel vm4, $0x0, v3  }
0x74: {  	v7 =	vld [tilespmem:s18+$0xFFFFFFF0];
	vm6 =	vgt.s32 v4, $0x0  }
0x75: {  	v8 =	vld [tilespmem:s18+$0x0];
	v4 =	vnsel vm6, $0x0, v4  }
0x76: {  	vm7 =	vgt.s32 v5, $0x0;
	v2 =	vld.idx.msk [tilespmem:v2+s2+$0x0], $0xffff  }
0x77: {  	v12 =	vld [tilespmem:s18+$0x30];
	v5 =	vnsel vm7, $0x0, v5  }
0x78: {  	vm5 =	vgt.s32 v6, $0x0;
	v3 =	vld.idx.msk [tilespmem:v3+s2+$0x0], $0xffff  }
0x79: {  	v9 =	vld [tilespmem:s18+$0x10];
	v6 =	vnsel vm5, $0x0, v6  }
0x7a: {  	s19 =	sand.u32 $0x1FF8, s19;
	vm3 =	vgt.s32 v7, $0x0;
	v4 =	vld.idx.msk [tilespmem:v4+s2+$0x0], $0xffff  }
0x7b: {  	v10 =	vld [tilespmem:s19+$0x18780];
	v7 =	vnsel vm3, $0x0, v7;
	v2 =	vadd.f32 $0.0e+00, v2  }
0x7c: {  	v11 =	vsel vm2, $0x3F800000, v0;
	vm1 =	vgt.s32 v8, $0x0;
	vm12 =	vgt.s32 v12, $0x0;
	v5 =	vld.idx.msk [tilespmem:v5+s2+$0x0], $0xffff  }
0x7d: {  	v57 =	vld [tilespmem:s18+$0x40];
	v8 =	vnsel vm1, $0x0, v8;
	v2 =	vnsel vm2, $0x0, v2;
	v3 =	vnsel vm4, $0x0, v3  }
0x7e: {  	v13 =	vsel vm4, $0x3F800000, v0;
	v6 =	vld.idx.msk [tilespmem:v6+s2+$0x0], $0xffff;
	vm2 =	vgt.s32 v9, $0x0;
	v2 =	vadd.f32 v3, v2  }
0x7f: {  	v14 =	vld [tilespmem:s18+$0x50];
	v11 =	vadd.f32 v13, v11;
	v4 =	vnsel vm6, $0x0, v4;
	v3 =	vnsel vm2, $0x0, v9  }
0x80: {  	vm11 =	vgt.s32 v10, $0x0;
	v58 =	vsel vm6, $0x3F800000, v0;
	v7 =	vld.idx.msk [tilespmem:v7+s2+$0x0], $0xffff;
	v2 =	vadd.f32 v4, v2  }
0x81: {  	v60 =	vld [tilespmem:s18+$0x60];
	v59 =	vnsel vm11, $0x0, v10;
	v11 =	vadd.f32 v58, v11;
	v5 =	vnsel vm7, $0x0, v5  }
0x82: {  	vm13 =	vgt.s32 v57, $0x0;
	v61 =	vsel vm7, $0x3F800000, v0;
	v8 =	vld.idx.msk [tilespmem:v8+s2+$0x0], $0xffff;
	v2 =	vadd.f32 v5, v2  }
0x83: {  	v62 =	vnsel vm12, $0x0, v12;
	v11 =	vadd.f32 v61, v11;
	v6 =	vnsel vm5, $0x0, v6  }
0x84: {  	vm14 =	vgt.s32 v14, $0x0;
	v63 =	vsel vm5, $0x3F800000, v0;
	v3 =	vld.idx.msk [tilespmem:v3+s2+$0x0], $0xffff;
	v2 =	vadd.f32 v6, v2  }
0x85: {  	v13 =	vnsel vm13, $0x0, v57;
	v15 =	vadd.f32 v63, v11;
	v7 =	vnsel vm3, $0x0, v7  }
0x86: {  	v16 =	vsel vm3, $0x3F800000, v0;
	v17 =	vnsel vm14, $0x0, v14;
	v4 =	vld.idx.msk [tilespmem:v59+s2+$0x0], $0xffff;
	v2 =	vadd.f32 v7, v2  }
0x87: {  	vm3 =	vgt.s32 v60, $0x0;
	v8 =	vnsel vm1, $0x0, v8;
	v9 =	vadd.f32 v16, v15  }
0x88: {  	v18 =	vsel vm1, $0x3F800000, v0;
	vm1 =	vmand vm3, vm0;
	v5 =	vld.idx.msk [tilespmem:v62+s2+$0x0], $0xffff;
	v2 =	vadd.f32 v8, v2  }
0x89: {  	v19 =	vnsel vm1, $0x0, v60;
	v9 =	vadd.f32 v18, v9;
	v3 =	vnsel vm2, $0x0, v3  }
0x8a: {  	v20 =	vsel vm2, $0x3F800000, v0;
	v6 =	vld.idx.msk [tilespmem:v13+s2+$0x0], $0xffff;
	v2 =	vadd.f32 v3, v2  }
0x8b: {  	v4 =	vnsel vm11, $0x0, v4;
	v3 =	vadd.f32 v20, v9  }
0x8c: {  	v21 =	vsel vm11, $0x3F800000, v0;
	v7 =	vld.idx.msk [tilespmem:v17+s2+$0x0], $0xffff;
	v2 =	vadd.f32 v4, v2  }
0x8d: {  	v22 =	vnsel vm12, $0x0, v5;
	v3 =	vadd.f32 v21, v3  }
0x8e: {  	v23 =	vsel vm12, $0x3F800000, v0;
	v8 =	vld.idx.msk [tilespmem:v19+s2+$0x0], $0xffff;
	v2 =	vadd.f32 v22, v2  }
0x8f: {  	v24 =	vnsel vm13, $0x0, v6;
	v3 =	vadd.f32 v23, v3  }
0x90: {  	v25 =	vsel vm13, $0x3F800000, v0;
	v2 =	vadd.f32 v24, v2  }
0x91: {  	v26 =	vnsel vm14, $0x0, v7;
	v3 =	vadd.f32 v25, v3  }
0x92: {  	v27 =	vsel vm14, $0x3F800000, v0;
	v2 =	vadd.f32 v26, v2  }
0x93: {  	v28 =	vnsel vm1, $0x0, v8;
	v3 =	vadd.f32 v27, v3  }
0x94: {  	v29 =	vnsel vm3, $0x0, v1;
	v2 =	vadd.f32 v28, v2  }
0x95: {  	s17 =	sadd.s32 $0x10, s17;
	v3 =	vadd.f32 v29, v3  }
0x96: {  	s16 =	sadd.s32 $0x10, s16;
	[tilespmem:s17+$0x0] =	vst v2  }
0x97: {  	s30 =	simm.s32 $0x0;
	[tilespmem:s16+$0x0] =	vst v3  }
0x98: {  	[tilespmem:s12], [sflag:$0x1] =	stream.linear.gather [hbm4b:s5+s30], $0x1900, $0x38;
	[tilespmem:$0x1B080] =	vst v63  }
0x99: {  	_ =	swait.ge [sflag:s11], $0x1900  }
0x9a: {  	[sflag:s11] =	ssyncset.done $0x0  }
0x9b: {  	s31 =	simm.s32 $0x18760;
	[sflag:s11] =	ssyncadd.s32 $0xFFFFE700  }
0x9c: {  	v2 =	vld [tilespmem:s31+$0xFFFFFFA0];
	_ =	sdelay $0x1  }
0x9d: {  	v3 =	vld [tilespmem:s31+$0xFFFFFFB0];
	_ =	sdelay $0x1  }
0x9e: {  	v30 =	vld [tilespmem:s31+$0xFFFFFFC0]  }
0x9f: {  	vm2 =	vgt.s32 v2, $0x0  }
0xa0: {  	v31 =	vld [tilespmem:s31+$0xFFFFFFD0];
	v2 =	vnsel vm2, $0x0, v2  }
0xa1: {  	vm15 =	vgt.s32 v3, $0x0  }
0xa2: {  	v32 =	vld [tilespmem:s31+$0xFFFFFFE0];
	v3 =	vnsel vm15, $0x0, v3  }
0xa3: {  	v33 =	vld [tilespmem:s31+$0xFFFFFFF0];
	vm9 =	vgt.s32 v30, $0x0  }
0xa4: {  	v34 =	vld [tilespmem:s31+$0x0];
	v4 =	vnsel vm9, $0x0, v30  }
0xa5: {  	vm10 =	vgt.s32 v31, $0x0;
	v2 =	vld.idx.msk [tilespmem:v2+s2+$0x0], $0xffff  }
0xa6: {  	v35 =	vld [tilespmem:s31+$0x10];
	v5 =	vnsel vm10, $0x0, v31  }
0xa7: {  	s16 =	sand.u32 $0x1FF8, s30;
	vm11 =	vgt.s32 v32, $0x0;
	v3 =	vld.idx.msk [tilespmem:v3+s2+$0x0], $0xffff  }
0xa8: {  	v36 =	vld [tilespmem:s16+$0x18780];
	v6 =	vnsel vm11, $0x0, v32  }
0xa9: {  	vm3 =	vgt.s32 v33, $0x0;
	v4 =	vld.idx.msk [tilespmem:v4+s2+$0x0], $0xffff  }
0xaa: {  	v38 =	vld [tilespmem:s31+$0x30];
	vm1 =	vgt.s32 v34, $0x0;
	v7 =	vnsel vm3, $0x0, v33;
	v2 =	vadd.f32 $0.0e+00, v2  }
0xab: {  	v37 =	vsel vm2, $0x3F800000, v0;
	v8 =	vnsel vm1, $0x0, v34;
	v5 =	vld.idx.msk [tilespmem:v5+s2+$0x0], $0xffff  }
0xac: {  	v40 =	vld [tilespmem:s31+$0x40];
	v39 =	vsel vm15, $0x3F800000, v0;
	v3 =	vnsel vm15, $0x0, v3;
	v2 =	vnsel vm2, $0x0, v2  }
0xad: {  	v11 =	vadd.f32 v39, v37;
	v6 =	vld.idx.msk [tilespmem:v6+s2+$0x0], $0xffff;
	vm2 =	vgt.s32 v35, $0x0;
	v2 =	vadd.f32 v3, v2  }
0xae: {  	v41 =	vld [tilespmem:s31+$0x50];
	v42 =	vsel vm9, $0x3F800000, v0;
	v4 =	vnsel vm9, $0x0, v4;
	v3 =	vnsel vm2, $0x0, v35  }
0xaf: {  	vm12 =	vgt.s32 v36, $0x0;
	v11 =	vadd.f32 v42, v11;
	v7 =	vld.idx.msk [tilespmem:v7+s2+$0x0], $0xffff;
	v2 =	vadd.f32 v4, v2  }
0xb0: {  	v44 =	vld [tilespmem:s31+$0x60];
	v43 =	vnsel vm12, $0x0, v36;
	v45 =	vsel vm10, $0x3F800000, v0;
	v5 =	vnsel vm10, $0x0, v5  }
0xb1: {  	vm13 =	vgt.s32 v38, $0x0;
	v8 =	vld.idx.msk [tilespmem:v8+s2+$0x0], $0xffff;
	v11 =	vadd.f32 v45, v11;
	v2 =	vadd.f32 v5, v2  }
0xb2: {  	v46 =	vnsel vm13, $0x0, v38;
	v47 =	vsel vm11, $0x3F800000, v0;
	v6 =	vnsel vm11, $0x0, v6  }
0xb3: {  	vm14 =	vgt.s32 v40, $0x0;
	v49 =	vadd.f32 v47, v11;
	v3 =	vld.idx.msk [tilespmem:v3+s2+$0x0], $0xffff;
	v2 =	vadd.f32 v6, v2  }
0xb4: {  	v48 =	vnsel vm14, $0x0, v40;
	v50 =	vsel vm3, $0x3F800000, v0;
	v7 =	vnsel vm3, $0x0, v7  }
0xb5: {  	v9 =	vadd.f32 v50, v49;
	vm15 =	vgt.s32 v41, $0x0;
	v4 =	vld.idx.msk [tilespmem:v43+s2+$0x0], $0xffff;
	v2 =	vadd.f32 v7, v2  }
0xb6: {  	vm3 =	vgt.s32 v44, $0x0;
	v8 =	vnsel vm1, $0x0, v8;
	v51 =	vnsel vm15, $0x0, v41  }
0xb7: {  	v52 =	vsel vm1, $0x3F800000, v0;
	vm1 =	vmand vm3, vm0;
	v5 =	vld.idx.msk [tilespmem:v46+s2+$0x0], $0xffff;
	v2 =	vadd.f32 v8, v2  }
0xb8: {  	v9 =	vadd.f32 v52, v9;
	v53 =	vnsel vm1, $0x0, v44;
	v3 =	vnsel vm2, $0x0, v3  }
0xb9: {  	v54 =	vsel vm2, $0x3F800000, v0;
	v6 =	vld.idx.msk [tilespmem:v48+s2+$0x0], $0xffff;
	v2 =	vadd.f32 v3, v2  }
0xba: {  	v4 =	vnsel vm12, $0x0, v4;
	v3 =	vadd.f32 v54, v9  }
0xbb: {  	v55 =	vsel vm12, $0x3F800000, v0;
	v7 =	vld.idx.msk [tilespmem:v51+s2+$0x0], $0xffff;
	v2 =	vadd.f32 v4, v2  }
0xbc: {  	v56 =	vnsel vm13, $0x0, v5;
	v3 =	vadd.f32 v55, v3  }
0xbd: {  	v57 =	vsel vm13, $0x3F800000, v0;
	v8 =	vld.idx.msk [tilespmem:v53+s2+$0x0], $0xffff;
	v2 =	vadd.f32 v56, v2  }
0xbe: {  	v58 =	vnsel vm14, $0x0, v6;
	v3 =	vadd.f32 v57, v3  }
0xbf: {  	v59 =	vsel vm14, $0x3F800000, v0;
	v2 =	vadd.f32 v58, v2  }
0xc0: {  	v60 =	vnsel vm15, $0x0, v7;
	v3 =	vadd.f32 v59, v3  }
0xc1: {  	v61 =	vsel vm15, $0x3F800000, v0;
	v2 =	vadd.f32 v60, v2  }
0xc2: {  	v62 =	vnsel vm1, $0x0, v8;
	v3 =	vadd.f32 v61, v3  }
0xc3: {  	v63 =	vnsel vm3, $0x0, v1;
	v2 =	vadd.f32 v62, v2  }
0xc4: {  	s16 =	simm.s32 $0x1A280;
	v3 =	vadd.f32 v63, v3  }
0xc5: {  	s17 =	simm.s32 $0x1AA80;
	[tilespmem:s16+$0x0] =	vst v2  }
0xc6: {  	s18 =	simm.s32 $0x18828;
	[tilespmem:s17+$0x0] =	vst v3  }
0xc7: {  	v2 =	vld [tilespmem:s18+$0xFFFFFFA0]  }
0xc8: {  	s20 =	simm.s32 $0x190;
	s19 =	simm.s32 $0xC8  }
.LBB2_4:
0xc9: {  	p0 =	sne.s32 s20, $0x1838;
	v3 =	vld [tilespmem:s18+$0xFFFFFFB0];
	_ =	sdelay $0x1  }
0xca: {  	v4 =	vld [tilespmem:s18+$0xFFFFFFC0]  }
0xcb: {  	vm3 =	vgt.s32 v2, $0x0  }
0xcc: {  	v2 =	vnsel vm3, $0x0, v2;
	v5 =	vsel vm3, $0x3F800000, v0;
	v6 =	vld [tilespmem:s18+$0xFFFFFFD0]  }
0xcd: {  	vm7 =	vgt.s32 v3, $0x0  }
0xce: {  	v3 =	vnsel vm7, $0x0, v3;
	v7 =	vsel vm7, $0x3F800000, v0;
	v8 =	vld [tilespmem:s18+$0xFFFFFFE0]  }
0xcf: {  	vm6 =	vgt.s32 v4, $0x0;
	v9 =	vld [tilespmem:s18+$0x50]  }
0xd0: {  	v4 =	vnsel vm6, $0x0, v4;
	v10 =	vsel vm6, $0x3F800000, v0;
	v11 =	vld [tilespmem:s18+$0xFFFFFFF0]  }
0xd1: {  	v2 =	vld.idx.msk [tilespmem:v2+s2+$0x0], $0xffff;
	vm5 =	vgt.s32 v6, $0x0  }
0xd2: {  	v6 =	vnsel vm5, $0x0, v6;
	v12 =	vsel vm5, $0x3F800000, v0;
	v13 =	vld [tilespmem:s18+$0x0]  }
0xd3: {  	v3 =	vld.idx.msk [tilespmem:v3+s2+$0x0], $0xffff;
	vm4 =	vgt.s32 v8, $0x0  }
0xd4: {  	v8 =	vnsel vm4, $0x0, v8;
	v14 =	vsel vm4, $0x3F800000, v0;
	v15 =	vld [tilespmem:s18+$0x10]  }
0xd5: {  	s21 =	sand.u32 $0x1FF8, s19;
	s19 =	smov.u32 s20;
	v4 =	vld.idx.msk [tilespmem:v4+s2+$0x0], $0xffff;
	vm1 =	vgt.s32 v11, $0x0  }
0xd6: {  	v11 =	vnsel vm1, $0x0, v11;
	v16 =	vsel vm1, $0x3F800000, v0;
	v17 =	vld [tilespmem:s21+$0x18780]  }
0xd7: {  	v2 =	vadd.f32 $0.0e+00, v2;
	v6 =	vld.idx.msk [tilespmem:v6+s2+$0x0], $0xffff;
	vm2 =	vgt.s32 v13, $0x0  }
0xd8: {  	v13 =	vnsel vm2, $0x0, v13;
	v18 =	vsel vm2, $0x3F800000, v0;
	v19 =	vld [tilespmem:s18+$0x30]  }
0xd9: {  	v2 =	vnsel vm3, $0x0, v2;
	v3 =	vnsel vm7, $0x0, v3;
	v8 =	vld.idx.msk [tilespmem:v8+s2+$0x0], $0xffff;
	vm3 =	vgt.s32 v15, $0x0  }
0xda: {  	v2 =	vadd.f32 v3, v2;
	v3 =	vnsel vm3, $0x0, v15;
	v15 =	vsel vm3, $0x3F800000, v0;
	v20 =	vld [tilespmem:s18+$0x40]  }
0xdb: {  	v5 =	vadd.f32 v7, v5;
	v4 =	vnsel vm6, $0x0, v4;
	v7 =	vld.idx.msk [tilespmem:v11+s2+$0x0], $0xffff;
	vm6 =	vgt.s32 v17, $0x0  }
0xdc: {  	v2 =	vadd.f32 v4, v2;
	v4 =	vnsel vm6, $0x0, v17;
	v11 =	vsel vm6, $0x3F800000, v0;
	v17 =	vld [tilespmem:s18+$0x60]  }
0xdd: {  	v5 =	vadd.f32 v10, v5;
	v6 =	vnsel vm5, $0x0, v6;
	v10 =	vld.idx.msk [tilespmem:v13+s2+$0x0], $0xffff;
	vm5 =	vgt.s32 v19, $0x0  }
0xde: {  	v2 =	vadd.f32 v6, v2;
	v6 =	vnsel vm5, $0x0, v19;
	v13 =	vsel vm5, $0x3F800000, v0  }
0xdf: {  	v5 =	vadd.f32 v12, v5;
	v8 =	vnsel vm4, $0x0, v8;
	v3 =	vld.idx.msk [tilespmem:v3+s2+$0x0], $0xffff;
	vm4 =	vgt.s32 v20, $0x0  }
0xe0: {  	v2 =	vadd.f32 v8, v2;
	v8 =	vnsel vm4, $0x0, v20;
	v12 =	vsel vm4, $0x3F800000, v0  }
0xe1: {  	v5 =	vadd.f32 v14, v5;
	v7 =	vnsel vm1, $0x0, v7;
	vm1 =	vgt.s32 v9, $0x0;
	v4 =	vld.idx.msk [tilespmem:v4+s2+$0x0], $0xffff  }
0xe2: {  	v2 =	vadd.f32 v7, v2;
	v7 =	vnsel vm1, $0x0, v9;
	vm7 =	vgt.s32 v17, $0x0  }
0xe3: {  	v5 =	vadd.f32 v16, v5;
	v9 =	vnsel vm2, $0x0, v10;
	vm2 =	vmand vm7, vm0;
	v6 =	vld.idx.msk [tilespmem:v6+s2+$0x0], $0xffff  }
0xe4: {  	v2 =	vadd.f32 v9, v2;
	v9 =	vsel vm1, $0x3F800000, v0;
	v10 =	vnsel vm2, $0x0, v17  }
0xe5: {  	v5 =	vadd.f32 v18, v5;
	v14 =	vnsel vm7, $0x0, v1;
	v3 =	vnsel vm3, $0x0, v3;
	v8 =	vld.idx.msk [tilespmem:v8+s2+$0x0], $0xffff  }
0xe6: {  	v2 =	vadd.f32 v3, v2  }
0xe7: {  	v3 =	vadd.f32 v15, v5;
	v4 =	vnsel vm6, $0x0, v4;
	v5 =	vld.idx.msk [tilespmem:v7+s2+$0x0], $0xffff  }
0xe8: {  	v2 =	vadd.f32 v4, v2  }
0xe9: {  	v3 =	vadd.f32 v11, v3;
	v4 =	vnsel vm5, $0x0, v6;
	v6 =	vld.idx.msk [tilespmem:v10+s2+$0x0], $0xffff  }
0xea: {  	v2 =	vadd.f32 v4, v2  }
0xeb: {  	v3 =	vadd.f32 v13, v3;
	v4 =	vnsel vm4, $0x0, v8  }
0xec: {  	v2 =	vadd.f32 v4, v2  }
0xed: {  	v3 =	vadd.f32 v12, v3;
	v4 =	vnsel vm1, $0x0, v5  }
0xee: {  	v2 =	vadd.f32 v4, v2  }
0xef: {  	v3 =	vadd.f32 v9, v3;
	v4 =	vnsel vm2, $0x0, v6  }
0xf0: {  	v2 =	vadd.f32 v4, v2  }
.Ltmp1:
0xf1: {  	s16 =	sadd.s32 $0x10, s16;
	v3 =	vadd.f32 v14, v3;
	(pc) =	sbr.rel @p0 .LBB2_4-.Ltmp1, $4  }
0xf2: {  	s17 =	sadd.s32 $0x10, s17;
	[tilespmem:s16+$0x0] =	vst v2  }
0xf3: {  	s18 =	sadd.s32 $0xC8, s18;
	[tilespmem:s17+$0x0] =	vst v3  }
0xf4: {  	v2 =	vld [tilespmem:s18+$0xFFFFFFA0]  }
0xf5: {  	s20 =	sadd.s32 $0xC8, s20  }
0xf6: {  	v3 =	vld [tilespmem:s18+$0xFFFFFFB0];
	_ =	sdelay $0x1  }
0xf7: {  	v4 =	vld [tilespmem:s18+$0xFFFFFFC0]  }
0xf8: {  	vm2 =	vgt.s32 v2, $0x0  }
0xf9: {  	v5 =	vld [tilespmem:s18+$0xFFFFFFD0];
	v2 =	vnsel vm2, $0x0, v2  }
0xfa: {  	vm4 =	vgt.s32 v3, $0x0  }
0xfb: {  	v6 =	vld [tilespmem:s18+$0xFFFFFFE0];
	v3 =	vnsel vm4, $0x0, v3  }
0xfc: {  	v7 =	vld [tilespmem:s18+$0xFFFFFFF0];
	vm6 =	vgt.s32 v4, $0x0  }
0xfd: {  	v8 =	vld [tilespmem:s18+$0x0];
	v4 =	vnsel vm6, $0x0, v4  }
0xfe: {  	vm7 =	vgt.s32 v5, $0x0;
	v2 =	vld.idx.msk [tilespmem:v2+s2+$0x0], $0xffff  }
0xff: {  	v12 =	vld [tilespmem:s18+$0x30];
	v5 =	vnsel vm7, $0x0, v5  }
0x100: {  	vm5 =	vgt.s32 v6, $0x0;
	v3 =	vld.idx.msk [tilespmem:v3+s2+$0x0], $0xffff  }
0x101: {  	v9 =	vld [tilespmem:s18+$0x10];
	v6 =	vnsel vm5, $0x0, v6  }
0x102: {  	s19 =	sand.u32 $0x1FF8, s19;
	vm3 =	vgt.s32 v7, $0x0;
	v4 =	vld.idx.msk [tilespmem:v4+s2+$0x0], $0xffff  }
0x103: {  	v10 =	vld [tilespmem:s19+$0x18780];
	v7 =	vnsel vm3, $0x0, v7;
	v2 =	vadd.f32 $0.0e+00, v2  }
0x104: {  	v11 =	vsel vm2, $0x3F800000, v0;
	vm1 =	vgt.s32 v8, $0x0;
	vm12 =	vgt.s32 v12, $0x0;
	v5 =	vld.idx.msk [tilespmem:v5+s2+$0x0], $0xffff  }
0x105: {  	v57 =	vld [tilespmem:s18+$0x40];
	v8 =	vnsel vm1, $0x0, v8;
	v2 =	vnsel vm2, $0x0, v2;
	v3 =	vnsel vm4, $0x0, v3  }
0x106: {  	v13 =	vsel vm4, $0x3F800000, v0;
	v6 =	vld.idx.msk [tilespmem:v6+s2+$0x0], $0xffff;
	vm2 =	vgt.s32 v9, $0x0;
	v2 =	vadd.f32 v3, v2  }
0x107: {  	v14 =	vld [tilespmem:s18+$0x50];
	v11 =	vadd.f32 v13, v11;
	v4 =	vnsel vm6, $0x0, v4;
	v3 =	vnsel vm2, $0x0, v9  }
0x108: {  	vm11 =	vgt.s32 v10, $0x0;
	v58 =	vsel vm6, $0x3F800000, v0;
	v7 =	vld.idx.msk [tilespmem:v7+s2+$0x0], $0xffff;
	v2 =	vadd.f32 v4, v2  }
0x109: {  	v60 =	vld [tilespmem:s18+$0x60];
	v59 =	vnsel vm11, $0x0, v10;
	v11 =	vadd.f32 v58, v11;
	v5 =	vnsel vm7, $0x0, v5  }
0x10a: {  	vm13 =	vgt.s32 v57, $0x0;
	v61 =	vsel vm7, $0x3F800000, v0;
	v8 =	vld.idx.msk [tilespmem:v8+s2+$0x0], $0xffff;
	v2 =	vadd.f32 v5, v2  }
0x10b: {  	v62 =	vnsel vm12, $0x0, v12;
	v11 =	vadd.f32 v61, v11;
	v6 =	vnsel vm5, $0x0, v6  }
0x10c: {  	vm14 =	vgt.s32 v14, $0x0;
	v63 =	vsel vm5, $0x3F800000, v0;
	v3 =	vld.idx.msk [tilespmem:v3+s2+$0x0], $0xffff;
	v2 =	vadd.f32 v6, v2  }
0x10d: {  	v13 =	vnsel vm13, $0x0, v57;
	v15 =	vadd.f32 v63, v11;
	v7 =	vnsel vm3, $0x0, v7  }
0x10e: {  	v16 =	vsel vm3, $0x3F800000, v0;
	v17 =	vnsel vm14, $0x0, v14;
	v4 =	vld.idx.msk [tilespmem:v59+s2+$0x0], $0xffff;
	v2 =	vadd.f32 v7, v2  }
0x10f: {  	vm3 =	vgt.s32 v60, $0x0;
	v8 =	vnsel vm1, $0x0, v8;
	v9 =	vadd.f32 v16, v15  }
0x110: {  	v18 =	vsel vm1, $0x3F800000, v0;
	vm1 =	vmand vm3, vm0;
	v5 =	vld.idx.msk [tilespmem:v62+s2+$0x0], $0xffff;
	v2 =	vadd.f32 v8, v2  }
0x111: {  	v19 =	vnsel vm1, $0x0, v60;
	v9 =	vadd.f32 v18, v9;
	v3 =	vnsel vm2, $0x0, v3  }
0x112: {  	v20 =	vsel vm2, $0x3F800000, v0;
	v6 =	vld.idx.msk [tilespmem:v13+s2+$0x0], $0xffff;
	v2 =	vadd.f32 v3, v2  }
0x113: {  	v4 =	vnsel vm11, $0x0, v4;
	v3 =	vadd.f32 v20, v9  }
0x114: {  	v21 =	vsel vm11, $0x3F800000, v0;
	v7 =	vld.idx.msk [tilespmem:v17+s2+$0x0], $0xffff;
	v2 =	vadd.f32 v4, v2  }
0x115: {  	v22 =	vnsel vm12, $0x0, v5;
	v3 =	vadd.f32 v21, v3  }
0x116: {  	v23 =	vsel vm12, $0x3F800000, v0;
	v8 =	vld.idx.msk [tilespmem:v19+s2+$0x0], $0xffff;
	v2 =	vadd.f32 v22, v2  }
0x117: {  	v24 =	vnsel vm13, $0x0, v6;
	v3 =	vadd.f32 v23, v3  }
0x118: {  	v25 =	vsel vm13, $0x3F800000, v0;
	v2 =	vadd.f32 v24, v2  }
0x119: {  	v26 =	vnsel vm14, $0x0, v7;
	v3 =	vadd.f32 v25, v3  }
0x11a: {  	v27 =	vsel vm14, $0x3F800000, v0;
	v2 =	vadd.f32 v26, v2  }
0x11b: {  	v28 =	vnsel vm1, $0x0, v8;
	v3 =	vadd.f32 v27, v3  }
0x11c: {  	v29 =	vnsel vm3, $0x0, v1;
	v2 =	vadd.f32 v28, v2  }
0x11d: {  	s16 =	sadd.s32 $0x10, s16;
	v3 =	vadd.f32 v29, v3  }
0x11e: {  	s29 =	sadd.s32 $0x10, s17;
	[tilespmem:s16+$0x0] =	vst v2  }
0x11f: {  	s30 =	simm.s32 $0x0;
	[tilespmem:s29+$0x0] =	vst v3  }
0x120: {  	[tilespmem:s12], [sflag:$0x1] =	stream.linear.gather [hbm4b:s6+s30], $0x1900, $0x38;
	[tilespmem:$0x1B080] =	vst v63  }
0x121: {  	_ =	swait.ge [sflag:s11], $0x1900  }
0x122: {  	[sflag:s11] =	ssyncset.done $0x0  }
0x123: {  	s31 =	simm.s32 $0x18760;
	[sflag:s11] =	ssyncadd.s32 $0xFFFFE700  }
0x124: {  	v2 =	vld [tilespmem:s31+$0xFFFFFFA0];
	_ =	sdelay $0x1  }
0x125: {  	v3 =	vld [tilespmem:s31+$0xFFFFFFB0];
	_ =	sdelay $0x1  }
0x126: {  	v30 =	vld [tilespmem:s31+$0xFFFFFFC0]  }
0x127: {  	vm2 =	vgt.s32 v2, $0x0  }
0x128: {  	v31 =	vld [tilespmem:s31+$0xFFFFFFD0];
	v2 =	vnsel vm2, $0x0, v2  }
0x129: {  	vm15 =	vgt.s32 v3, $0x0  }
0x12a: {  	v32 =	vld [tilespmem:s31+$0xFFFFFFE0];
	v3 =	vnsel vm15, $0x0, v3  }
0x12b: {  	v33 =	vld [tilespmem:s31+$0xFFFFFFF0];
	vm9 =	vgt.s32 v30, $0x0  }
0x12c: {  	v34 =	vld [tilespmem:s31+$0x0];
	v4 =	vnsel vm9, $0x0, v30  }
0x12d: {  	vm10 =	vgt.s32 v31, $0x0;
	v2 =	vld.idx.msk [tilespmem:v2+s2+$0x0], $0xffff  }
0x12e: {  	v35 =	vld [tilespmem:s31+$0x10];
	v5 =	vnsel vm10, $0x0, v31  }
0x12f: {  	s16 =	sand.u32 $0x1FF8, s30;
	vm11 =	vgt.s32 v32, $0x0;
	v3 =	vld.idx.msk [tilespmem:v3+s2+$0x0], $0xffff  }
0x130: {  	v36 =	vld [tilespmem:s16+$0x18780];
	v6 =	vnsel vm11, $0x0, v32  }
0x131: {  	vm3 =	vgt.s32 v33, $0x0;
	v4 =	vld.idx.msk [tilespmem:v4+s2+$0x0], $0xffff  }
0x132: {  	v38 =	vld [tilespmem:s31+$0x30];
	vm1 =	vgt.s32 v34, $0x0;
	v7 =	vnsel vm3, $0x0, v33;
	v2 =	vadd.f32 $0.0e+00, v2  }
0x133: {  	v37 =	vsel vm2, $0x3F800000, v0;
	v8 =	vnsel vm1, $0x0, v34;
	v5 =	vld.idx.msk [tilespmem:v5+s2+$0x0], $0xffff  }
0x134: {  	v40 =	vld [tilespmem:s31+$0x40];
	v39 =	vsel vm15, $0x3F800000, v0;
	v3 =	vnsel vm15, $0x0, v3;
	v2 =	vnsel vm2, $0x0, v2  }
0x135: {  	v11 =	vadd.f32 v39, v37;
	v6 =	vld.idx.msk [tilespmem:v6+s2+$0x0], $0xffff;
	vm2 =	vgt.s32 v35, $0x0;
	v2 =	vadd.f32 v3, v2  }
0x136: {  	v41 =	vld [tilespmem:s31+$0x50];
	v42 =	vsel vm9, $0x3F800000, v0;
	v4 =	vnsel vm9, $0x0, v4;
	v3 =	vnsel vm2, $0x0, v35  }
0x137: {  	vm12 =	vgt.s32 v36, $0x0;
	v11 =	vadd.f32 v42, v11;
	v7 =	vld.idx.msk [tilespmem:v7+s2+$0x0], $0xffff;
	v2 =	vadd.f32 v4, v2  }
0x138: {  	v44 =	vld [tilespmem:s31+$0x60];
	v43 =	vnsel vm12, $0x0, v36;
	v45 =	vsel vm10, $0x3F800000, v0;
	v5 =	vnsel vm10, $0x0, v5  }
0x139: {  	vm13 =	vgt.s32 v38, $0x0;
	v8 =	vld.idx.msk [tilespmem:v8+s2+$0x0], $0xffff;
	v11 =	vadd.f32 v45, v11;
	v2 =	vadd.f32 v5, v2  }
0x13a: {  	v46 =	vnsel vm13, $0x0, v38;
	v47 =	vsel vm11, $0x3F800000, v0;
	v6 =	vnsel vm11, $0x0, v6  }
0x13b: {  	vm14 =	vgt.s32 v40, $0x0;
	v49 =	vadd.f32 v47, v11;
	v3 =	vld.idx.msk [tilespmem:v3+s2+$0x0], $0xffff;
	v2 =	vadd.f32 v6, v2  }
0x13c: {  	v48 =	vnsel vm14, $0x0, v40;
	v50 =	vsel vm3, $0x3F800000, v0;
	v7 =	vnsel vm3, $0x0, v7  }
0x13d: {  	v9 =	vadd.f32 v50, v49;
	vm15 =	vgt.s32 v41, $0x0;
	v4 =	vld.idx.msk [tilespmem:v43+s2+$0x0], $0xffff;
	v2 =	vadd.f32 v7, v2  }
0x13e: {  	vm3 =	vgt.s32 v44, $0x0;
	v8 =	vnsel vm1, $0x0, v8;
	v51 =	vnsel vm15, $0x0, v41  }
0x13f: {  	v52 =	vsel vm1, $0x3F800000, v0;
	vm1 =	vmand vm3, vm0;
	v5 =	vld.idx.msk [tilespmem:v46+s2+$0x0], $0xffff;
	v2 =	vadd.f32 v8, v2  }
0x140: {  	v9 =	vadd.f32 v52, v9;
	v53 =	vnsel vm1, $0x0, v44;
	v3 =	vnsel vm2, $0x0, v3  }
0x141: {  	v54 =	vsel vm2, $0x3F800000, v0;
	v6 =	vld.idx.msk [tilespmem:v48+s2+$0x0], $0xffff;
	v2 =	vadd.f32 v3, v2  }
0x142: {  	v4 =	vnsel vm12, $0x0, v4;
	v3 =	vadd.f32 v54, v9  }
0x143: {  	v55 =	vsel vm12, $0x3F800000, v0;
	v7 =	vld.idx.msk [tilespmem:v51+s2+$0x0], $0xffff;
	v2 =	vadd.f32 v4, v2  }
0x144: {  	v56 =	vnsel vm13, $0x0, v5;
	v3 =	vadd.f32 v55, v3  }
0x145: {  	v57 =	vsel vm13, $0x3F800000, v0;
	v8 =	vld.idx.msk [tilespmem:v53+s2+$0x0], $0xffff;
	v2 =	vadd.f32 v56, v2  }
0x146: {  	v58 =	vnsel vm14, $0x0, v6;
	v3 =	vadd.f32 v57, v3  }
0x147: {  	v59 =	vsel vm14, $0x3F800000, v0;
	v2 =	vadd.f32 v58, v2  }
0x148: {  	v60 =	vnsel vm15, $0x0, v7;
	v3 =	vadd.f32 v59, v3  }
0x149: {  	v61 =	vsel vm15, $0x3F800000, v0;
	v2 =	vadd.f32 v60, v2  }
0x14a: {  	v62 =	vnsel vm1, $0x0, v8;
	v3 =	vadd.f32 v61, v3  }
0x14b: {  	v63 =	vnsel vm3, $0x0, v1;
	v2 =	vadd.f32 v62, v2  }
0x14c: {  	s16 =	simm.s32 $0x1A480;
	v3 =	vadd.f32 v63, v3  }
0x14d: {  	s17 =	simm.s32 $0x1AC80;
	[tilespmem:s16+$0x0] =	vst v2  }
0x14e: {  	s18 =	simm.s32 $0x18828;
	[tilespmem:s17+$0x0] =	vst v3  }
0x14f: {  	v2 =	vld [tilespmem:s18+$0xFFFFFFA0]  }
0x150: {  	s20 =	simm.s32 $0x190;
	s19 =	simm.s32 $0xC8  }
.LBB2_6:
0x151: {  	p0 =	sne.s32 s20, $0x1838;
	v3 =	vld [tilespmem:s18+$0xFFFFFFB0];
	_ =	sdelay $0x1  }
0x152: {  	v4 =	vld [tilespmem:s18+$0xFFFFFFC0]  }
0x153: {  	vm3 =	vgt.s32 v2, $0x0  }
0x154: {  	v2 =	vnsel vm3, $0x0, v2;
	v5 =	vsel vm3, $0x3F800000, v0;
	v6 =	vld [tilespmem:s18+$0xFFFFFFD0]  }
0x155: {  	vm7 =	vgt.s32 v3, $0x0  }
0x156: {  	v3 =	vnsel vm7, $0x0, v3;
	v7 =	vsel vm7, $0x3F800000, v0;
	v8 =	vld [tilespmem:s18+$0xFFFFFFE0]  }
0x157: {  	vm6 =	vgt.s32 v4, $0x0;
	v9 =	vld [tilespmem:s18+$0x50]  }
0x158: {  	v4 =	vnsel vm6, $0x0, v4;
	v10 =	vsel vm6, $0x3F800000, v0;
	v11 =	vld [tilespmem:s18+$0xFFFFFFF0]  }
0x159: {  	v2 =	vld.idx.msk [tilespmem:v2+s2+$0x0], $0xffff;
	vm5 =	vgt.s32 v6, $0x0  }
0x15a: {  	v6 =	vnsel vm5, $0x0, v6;
	v12 =	vsel vm5, $0x3F800000, v0;
	v13 =	vld [tilespmem:s18+$0x0]  }
0x15b: {  	v3 =	vld.idx.msk [tilespmem:v3+s2+$0x0], $0xffff;
	vm4 =	vgt.s32 v8, $0x0  }
0x15c: {  	v8 =	vnsel vm4, $0x0, v8;
	v14 =	vsel vm4, $0x3F800000, v0;
	v15 =	vld [tilespmem:s18+$0x10]  }
0x15d: {  	s21 =	sand.u32 $0x1FF8, s19;
	s19 =	smov.u32 s20;
	v4 =	vld.idx.msk [tilespmem:v4+s2+$0x0], $0xffff;
	vm1 =	vgt.s32 v11, $0x0  }
0x15e: {  	v11 =	vnsel vm1, $0x0, v11;
	v16 =	vsel vm1, $0x3F800000, v0;
	v17 =	vld [tilespmem:s21+$0x18780]  }
0x15f: {  	v2 =	vadd.f32 $0.0e+00, v2;
	v6 =	vld.idx.msk [tilespmem:v6+s2+$0x0], $0xffff;
	vm2 =	vgt.s32 v13, $0x0  }
0x160: {  	v13 =	vnsel vm2, $0x0, v13;
	v18 =	vsel vm2, $0x3F800000, v0;
	v19 =	vld [tilespmem:s18+$0x30]  }
0x161: {  	v2 =	vnsel vm3, $0x0, v2;
	v3 =	vnsel vm7, $0x0, v3;
	v8 =	vld.idx.msk [tilespmem:v8+s2+$0x0], $0xffff;
	vm3 =	vgt.s32 v15, $0x0  }
0x162: {  	v2 =	vadd.f32 v3, v2;
	v3 =	vnsel vm3, $0x0, v15;
	v15 =	vsel vm3, $0x3F800000, v0;
	v20 =	vld [tilespmem:s18+$0x40]  }
0x163: {  	v5 =	vadd.f32 v7, v5;
	v4 =	vnsel vm6, $0x0, v4;
	v7 =	vld.idx.msk [tilespmem:v11+s2+$0x0], $0xffff;
	vm6 =	vgt.s32 v17, $0x0  }
0x164: {  	v2 =	vadd.f32 v4, v2;
	v4 =	vnsel vm6, $0x0, v17;
	v11 =	vsel vm6, $0x3F800000, v0;
	v17 =	vld [tilespmem:s18+$0x60]  }
0x165: {  	v5 =	vadd.f32 v10, v5;
	v6 =	vnsel vm5, $0x0, v6;
	v10 =	vld.idx.msk [tilespmem:v13+s2+$0x0], $0xffff;
	vm5 =	vgt.s32 v19, $0x0  }
0x166: {  	v2 =	vadd.f32 v6, v2;
	v6 =	vnsel vm5, $0x0, v19;
	v13 =	vsel vm5, $0x3F800000, v0  }
0x167: {  	v5 =	vadd.f32 v12, v5;
	v8 =	vnsel vm4, $0x0, v8;
	v3 =	vld.idx.msk [tilespmem:v3+s2+$0x0], $0xffff;
	vm4 =	vgt.s32 v20, $0x0  }
0x168: {  	v2 =	vadd.f32 v8, v2;
	v8 =	vnsel vm4, $0x0, v20;
	v12 =	vsel vm4, $0x3F800000, v0  }
0x169: {  	v5 =	vadd.f32 v14, v5;
	v7 =	vnsel vm1, $0x0, v7;
	vm1 =	vgt.s32 v9, $0x0;
	v4 =	vld.idx.msk [tilespmem:v4+s2+$0x0], $0xffff  }
0x16a: {  	v2 =	vadd.f32 v7, v2;
	v7 =	vnsel vm1, $0x0, v9;
	vm7 =	vgt.s32 v17, $0x0  }
0x16b: {  	v5 =	vadd.f32 v16, v5;
	v9 =	vnsel vm2, $0x0, v10;
	vm2 =	vmand vm7, vm0;
	v6 =	vld.idx.msk [tilespmem:v6+s2+$0x0], $0xffff  }
0x16c: {  	v2 =	vadd.f32 v9, v2;
	v9 =	vsel vm1, $0x3F800000, v0;
	v10 =	vnsel vm2, $0x0, v17  }
0x16d: {  	v5 =	vadd.f32 v18, v5;
	v14 =	vnsel vm7, $0x0, v1;
	v3 =	vnsel vm3, $0x0, v3;
	v8 =	vld.idx.msk [tilespmem:v8+s2+$0x0], $0xffff  }
0x16e: {  	v2 =	vadd.f32 v3, v2  }
0x16f: {  	v3 =	vadd.f32 v15, v5;
	v4 =	vnsel vm6, $0x0, v4;
	v5 =	vld.idx.msk [tilespmem:v7+s2+$0x0], $0xffff  }
0x170: {  	v2 =	vadd.f32 v4, v2  }
0x171: {  	v3 =	vadd.f32 v11, v3;
	v4 =	vnsel vm5, $0x0, v6;
	v6 =	vld.idx.msk [tilespmem:v10+s2+$0x0], $0xffff  }
0x172: {  	v2 =	vadd.f32 v4, v2  }
0x173: {  	v3 =	vadd.f32 v13, v3;
	v4 =	vnsel vm4, $0x0, v8  }
0x174: {  	v2 =	vadd.f32 v4, v2  }
0x175: {  	v3 =	vadd.f32 v12, v3;
	v4 =	vnsel vm1, $0x0, v5  }
0x176: {  	v2 =	vadd.f32 v4, v2  }
0x177: {  	v3 =	vadd.f32 v9, v3;
	v4 =	vnsel vm2, $0x0, v6  }
0x178: {  	v2 =	vadd.f32 v4, v2  }
.Ltmp2:
0x179: {  	s16 =	sadd.s32 $0x10, s16;
	v3 =	vadd.f32 v14, v3;
	(pc) =	sbr.rel @p0 .LBB2_6-.Ltmp2, $4  }
0x17a: {  	s17 =	sadd.s32 $0x10, s17;
	[tilespmem:s16+$0x0] =	vst v2  }
0x17b: {  	s18 =	sadd.s32 $0xC8, s18;
	[tilespmem:s17+$0x0] =	vst v3  }
0x17c: {  	v2 =	vld [tilespmem:s18+$0xFFFFFFA0]  }
0x17d: {  	s20 =	sadd.s32 $0xC8, s20  }
0x17e: {  	v3 =	vld [tilespmem:s18+$0xFFFFFFB0];
	_ =	sdelay $0x1  }
0x17f: {  	v4 =	vld [tilespmem:s18+$0xFFFFFFC0]  }
0x180: {  	vm2 =	vgt.s32 v2, $0x0  }
0x181: {  	v5 =	vld [tilespmem:s18+$0xFFFFFFD0];
	v2 =	vnsel vm2, $0x0, v2  }
0x182: {  	vm4 =	vgt.s32 v3, $0x0  }
0x183: {  	v6 =	vld [tilespmem:s18+$0xFFFFFFE0];
	v3 =	vnsel vm4, $0x0, v3  }
0x184: {  	v7 =	vld [tilespmem:s18+$0xFFFFFFF0];
	vm6 =	vgt.s32 v4, $0x0  }
0x185: {  	v8 =	vld [tilespmem:s18+$0x0];
	v4 =	vnsel vm6, $0x0, v4  }
0x186: {  	vm7 =	vgt.s32 v5, $0x0;
	v2 =	vld.idx.msk [tilespmem:v2+s2+$0x0], $0xffff  }
0x187: {  	v12 =	vld [tilespmem:s18+$0x30];
	v5 =	vnsel vm7, $0x0, v5  }
0x188: {  	vm5 =	vgt.s32 v6, $0x0;
	v3 =	vld.idx.msk [tilespmem:v3+s2+$0x0], $0xffff  }
0x189: {  	v9 =	vld [tilespmem:s18+$0x10];
	v6 =	vnsel vm5, $0x0, v6  }
0x18a: {  	s19 =	sand.u32 $0x1FF8, s19;
	vm3 =	vgt.s32 v7, $0x0;
	v4 =	vld.idx.msk [tilespmem:v4+s2+$0x0], $0xffff  }
0x18b: {  	v10 =	vld [tilespmem:s19+$0x18780];
	v7 =	vnsel vm3, $0x0, v7;
	v2 =	vadd.f32 $0.0e+00, v2  }
0x18c: {  	v11 =	vsel vm2, $0x3F800000, v0;
	vm1 =	vgt.s32 v8, $0x0;
	vm12 =	vgt.s32 v12, $0x0;
	v5 =	vld.idx.msk [tilespmem:v5+s2+$0x0], $0xffff  }
0x18d: {  	v57 =	vld [tilespmem:s18+$0x40];
	v8 =	vnsel vm1, $0x0, v8;
	v2 =	vnsel vm2, $0x0, v2;
	v3 =	vnsel vm4, $0x0, v3  }
0x18e: {  	v13 =	vsel vm4, $0x3F800000, v0;
	v6 =	vld.idx.msk [tilespmem:v6+s2+$0x0], $0xffff;
	vm2 =	vgt.s32 v9, $0x0;
	v2 =	vadd.f32 v3, v2  }
0x18f: {  	v14 =	vld [tilespmem:s18+$0x50];
	v11 =	vadd.f32 v13, v11;
	v4 =	vnsel vm6, $0x0, v4;
	v3 =	vnsel vm2, $0x0, v9  }
0x190: {  	vm11 =	vgt.s32 v10, $0x0;
	v58 =	vsel vm6, $0x3F800000, v0;
	v7 =	vld.idx.msk [tilespmem:v7+s2+$0x0], $0xffff;
	v2 =	vadd.f32 v4, v2  }
0x191: {  	v60 =	vld [tilespmem:s18+$0x60];
	v59 =	vnsel vm11, $0x0, v10;
	v11 =	vadd.f32 v58, v11;
	v5 =	vnsel vm7, $0x0, v5  }
0x192: {  	vm13 =	vgt.s32 v57, $0x0;
	v61 =	vsel vm7, $0x3F800000, v0;
	v8 =	vld.idx.msk [tilespmem:v8+s2+$0x0], $0xffff;
	v2 =	vadd.f32 v5, v2  }
0x193: {  	v62 =	vnsel vm12, $0x0, v12;
	v11 =	vadd.f32 v61, v11;
	v6 =	vnsel vm5, $0x0, v6  }
0x194: {  	vm14 =	vgt.s32 v14, $0x0;
	v63 =	vsel vm5, $0x3F800000, v0;
	v3 =	vld.idx.msk [tilespmem:v3+s2+$0x0], $0xffff;
	v2 =	vadd.f32 v6, v2  }
0x195: {  	v13 =	vnsel vm13, $0x0, v57;
	v15 =	vadd.f32 v63, v11;
	v7 =	vnsel vm3, $0x0, v7  }
0x196: {  	v16 =	vsel vm3, $0x3F800000, v0;
	v17 =	vnsel vm14, $0x0, v14;
	v4 =	vld.idx.msk [tilespmem:v59+s2+$0x0], $0xffff;
	v2 =	vadd.f32 v7, v2  }
0x197: {  	vm3 =	vgt.s32 v60, $0x0;
	v8 =	vnsel vm1, $0x0, v8;
	v9 =	vadd.f32 v16, v15  }
0x198: {  	v18 =	vsel vm1, $0x3F800000, v0;
	vm1 =	vmand vm3, vm0;
	v5 =	vld.idx.msk [tilespmem:v62+s2+$0x0], $0xffff;
	v2 =	vadd.f32 v8, v2  }
0x199: {  	v19 =	vnsel vm1, $0x0, v60;
	v9 =	vadd.f32 v18, v9;
	v3 =	vnsel vm2, $0x0, v3  }
0x19a: {  	v20 =	vsel vm2, $0x3F800000, v0;
	v6 =	vld.idx.msk [tilespmem:v13+s2+$0x0], $0xffff;
	v2 =	vadd.f32 v3, v2  }
0x19b: {  	v4 =	vnsel vm11, $0x0, v4;
	v3 =	vadd.f32 v20, v9  }
0x19c: {  	v21 =	vsel vm11, $0x3F800000, v0;
	v7 =	vld.idx.msk [tilespmem:v17+s2+$0x0], $0xffff;
	v2 =	vadd.f32 v4, v2  }
0x19d: {  	v22 =	vnsel vm12, $0x0, v5;
	v3 =	vadd.f32 v21, v3  }
0x19e: {  	v23 =	vsel vm12, $0x3F800000, v0;
	v8 =	vld.idx.msk [tilespmem:v19+s2+$0x0], $0xffff;
	v2 =	vadd.f32 v22, v2  }
0x19f: {  	v24 =	vnsel vm13, $0x0, v6;
	v3 =	vadd.f32 v23, v3  }
0x1a0: {  	v25 =	vsel vm13, $0x3F800000, v0;
	v2 =	vadd.f32 v24, v2  }
0x1a1: {  	v26 =	vnsel vm14, $0x0, v7;
	v3 =	vadd.f32 v25, v3  }
0x1a2: {  	v27 =	vsel vm14, $0x3F800000, v0;
	v2 =	vadd.f32 v26, v2  }
0x1a3: {  	v28 =	vnsel vm1, $0x0, v8;
	v3 =	vadd.f32 v27, v3  }
0x1a4: {  	v29 =	vnsel vm3, $0x0, v1;
	v2 =	vadd.f32 v28, v2  }
0x1a5: {  	s16 =	sadd.s32 $0x10, s16;
	v3 =	vadd.f32 v29, v3  }
0x1a6: {  	s29 =	sadd.s32 $0x10, s17;
	[tilespmem:s16+$0x0] =	vst v2  }
0x1a7: {  	s30 =	simm.s32 $0x0;
	[tilespmem:s29+$0x0] =	vst v3  }
0x1a8: {  	[tilespmem:s12], [sflag:$0x1] =	stream.linear.gather [hbm4b:s7+s30], $0x1900, $0x38;
	[tilespmem:$0x1B080] =	vst v63  }
0x1a9: {  	_ =	swait.ge [sflag:s11], $0x1900  }
0x1aa: {  	[sflag:s11] =	ssyncset.done $0x0  }
0x1ab: {  	s31 =	simm.s32 $0x18760;
	[sflag:s11] =	ssyncadd.s32 $0xFFFFE700  }
0x1ac: {  	v2 =	vld [tilespmem:s31+$0xFFFFFFA0];
	_ =	sdelay $0x1  }
0x1ad: {  	v3 =	vld [tilespmem:s31+$0xFFFFFFB0];
	_ =	sdelay $0x1  }
0x1ae: {  	v30 =	vld [tilespmem:s31+$0xFFFFFFC0]  }
0x1af: {  	vm2 =	vgt.s32 v2, $0x0  }
0x1b0: {  	v31 =	vld [tilespmem:s31+$0xFFFFFFD0];
	v2 =	vnsel vm2, $0x0, v2  }
0x1b1: {  	vm15 =	vgt.s32 v3, $0x0  }
0x1b2: {  	v32 =	vld [tilespmem:s31+$0xFFFFFFE0];
	v3 =	vnsel vm15, $0x0, v3  }
0x1b3: {  	v33 =	vld [tilespmem:s31+$0xFFFFFFF0];
	vm9 =	vgt.s32 v30, $0x0  }
0x1b4: {  	v34 =	vld [tilespmem:s31+$0x0];
	v4 =	vnsel vm9, $0x0, v30  }
0x1b5: {  	vm10 =	vgt.s32 v31, $0x0;
	v2 =	vld.idx.msk [tilespmem:v2+s2+$0x0], $0xffff  }
0x1b6: {  	v35 =	vld [tilespmem:s31+$0x10];
	v5 =	vnsel vm10, $0x0, v31  }
0x1b7: {  	s16 =	sand.u32 $0x1FF8, s30;
	vm11 =	vgt.s32 v32, $0x0;
	v3 =	vld.idx.msk [tilespmem:v3+s2+$0x0], $0xffff  }
0x1b8: {  	v36 =	vld [tilespmem:s16+$0x18780];
	v6 =	vnsel vm11, $0x0, v32  }
0x1b9: {  	vm3 =	vgt.s32 v33, $0x0;
	v4 =	vld.idx.msk [tilespmem:v4+s2+$0x0], $0xffff  }
0x1ba: {  	v38 =	vld [tilespmem:s31+$0x30];
	vm1 =	vgt.s32 v34, $0x0;
	v7 =	vnsel vm3, $0x0, v33;
	v2 =	vadd.f32 $0.0e+00, v2  }
0x1bb: {  	v37 =	vsel vm2, $0x3F800000, v0;
	v8 =	vnsel vm1, $0x0, v34;
	v5 =	vld.idx.msk [tilespmem:v5+s2+$0x0], $0xffff  }
0x1bc: {  	v40 =	vld [tilespmem:s31+$0x40];
	v39 =	vsel vm15, $0x3F800000, v0;
	v3 =	vnsel vm15, $0x0, v3;
	v2 =	vnsel vm2, $0x0, v2  }
0x1bd: {  	v11 =	vadd.f32 v39, v37;
	v6 =	vld.idx.msk [tilespmem:v6+s2+$0x0], $0xffff;
	vm2 =	vgt.s32 v35, $0x0;
	v2 =	vadd.f32 v3, v2  }
0x1be: {  	v41 =	vld [tilespmem:s31+$0x50];
	v42 =	vsel vm9, $0x3F800000, v0;
	v4 =	vnsel vm9, $0x0, v4;
	v3 =	vnsel vm2, $0x0, v35  }
0x1bf: {  	vm12 =	vgt.s32 v36, $0x0;
	v11 =	vadd.f32 v42, v11;
	v7 =	vld.idx.msk [tilespmem:v7+s2+$0x0], $0xffff;
	v2 =	vadd.f32 v4, v2  }
0x1c0: {  	v44 =	vld [tilespmem:s31+$0x60];
	v43 =	vnsel vm12, $0x0, v36;
	v45 =	vsel vm10, $0x3F800000, v0;
	v5 =	vnsel vm10, $0x0, v5  }
0x1c1: {  	vm13 =	vgt.s32 v38, $0x0;
	v8 =	vld.idx.msk [tilespmem:v8+s2+$0x0], $0xffff;
	v11 =	vadd.f32 v45, v11;
	v2 =	vadd.f32 v5, v2  }
0x1c2: {  	v46 =	vnsel vm13, $0x0, v38;
	v47 =	vsel vm11, $0x3F800000, v0;
	v6 =	vnsel vm11, $0x0, v6  }
0x1c3: {  	vm14 =	vgt.s32 v40, $0x0;
	v49 =	vadd.f32 v47, v11;
	v3 =	vld.idx.msk [tilespmem:v3+s2+$0x0], $0xffff;
	v2 =	vadd.f32 v6, v2  }
0x1c4: {  	v48 =	vnsel vm14, $0x0, v40;
	v50 =	vsel vm3, $0x3F800000, v0;
	v7 =	vnsel vm3, $0x0, v7  }
0x1c5: {  	v9 =	vadd.f32 v50, v49;
	vm15 =	vgt.s32 v41, $0x0;
	v4 =	vld.idx.msk [tilespmem:v43+s2+$0x0], $0xffff;
	v2 =	vadd.f32 v7, v2  }
0x1c6: {  	vm3 =	vgt.s32 v44, $0x0;
	v8 =	vnsel vm1, $0x0, v8;
	v51 =	vnsel vm15, $0x0, v41  }
0x1c7: {  	v52 =	vsel vm1, $0x3F800000, v0;
	vm1 =	vmand vm3, vm0;
	v5 =	vld.idx.msk [tilespmem:v46+s2+$0x0], $0xffff;
	v2 =	vadd.f32 v8, v2  }
0x1c8: {  	v9 =	vadd.f32 v52, v9;
	v53 =	vnsel vm1, $0x0, v44;
	v3 =	vnsel vm2, $0x0, v3  }
0x1c9: {  	v54 =	vsel vm2, $0x3F800000, v0;
	v6 =	vld.idx.msk [tilespmem:v48+s2+$0x0], $0xffff;
	v2 =	vadd.f32 v3, v2  }
0x1ca: {  	v4 =	vnsel vm12, $0x0, v4;
	v3 =	vadd.f32 v54, v9  }
0x1cb: {  	v55 =	vsel vm12, $0x3F800000, v0;
	v7 =	vld.idx.msk [tilespmem:v51+s2+$0x0], $0xffff;
	v2 =	vadd.f32 v4, v2  }
0x1cc: {  	v56 =	vnsel vm13, $0x0, v5;
	v3 =	vadd.f32 v55, v3  }
0x1cd: {  	v57 =	vsel vm13, $0x3F800000, v0;
	v8 =	vld.idx.msk [tilespmem:v53+s2+$0x0], $0xffff;
	v2 =	vadd.f32 v56, v2  }
0x1ce: {  	v58 =	vnsel vm14, $0x0, v6;
	v3 =	vadd.f32 v57, v3  }
0x1cf: {  	v59 =	vsel vm14, $0x3F800000, v0;
	v2 =	vadd.f32 v58, v2  }
0x1d0: {  	v60 =	vnsel vm15, $0x0, v7;
	v3 =	vadd.f32 v59, v3  }
0x1d1: {  	v61 =	vsel vm15, $0x3F800000, v0;
	v2 =	vadd.f32 v60, v2  }
0x1d2: {  	v62 =	vnsel vm1, $0x0, v8;
	v3 =	vadd.f32 v61, v3  }
0x1d3: {  	v63 =	vnsel vm3, $0x0, v1;
	v2 =	vadd.f32 v62, v2  }
0x1d4: {  	s16 =	simm.s32 $0x1A680;
	v3 =	vadd.f32 v63, v3  }
0x1d5: {  	s17 =	simm.s32 $0x1AE80;
	[tilespmem:s16+$0x0] =	vst v2  }
0x1d6: {  	s18 =	simm.s32 $0x18828;
	[tilespmem:s17+$0x0] =	vst v3  }
0x1d7: {  	v2 =	vld [tilespmem:s18+$0xFFFFFFA0]  }
0x1d8: {  	s20 =	simm.s32 $0x190;
	s19 =	simm.s32 $0xC8  }
.LBB2_8:
0x1d9: {  	p0 =	sne.s32 s20, $0x1838;
	v3 =	vld [tilespmem:s18+$0xFFFFFFB0];
	_ =	sdelay $0x1  }
0x1da: {  	v4 =	vld [tilespmem:s18+$0xFFFFFFC0]  }
0x1db: {  	vm3 =	vgt.s32 v2, $0x0  }
0x1dc: {  	v2 =	vnsel vm3, $0x0, v2;
	v5 =	vsel vm3, $0x3F800000, v0;
	v6 =	vld [tilespmem:s18+$0xFFFFFFD0]  }
0x1dd: {  	vm7 =	vgt.s32 v3, $0x0  }
0x1de: {  	v3 =	vnsel vm7, $0x0, v3;
	v7 =	vsel vm7, $0x3F800000, v0;
	v8 =	vld [tilespmem:s18+$0xFFFFFFE0]  }
0x1df: {  	vm6 =	vgt.s32 v4, $0x0;
	v9 =	vld [tilespmem:s18+$0x50]  }
0x1e0: {  	v4 =	vnsel vm6, $0x0, v4;
	v10 =	vsel vm6, $0x3F800000, v0;
	v11 =	vld [tilespmem:s18+$0xFFFFFFF0]  }
0x1e1: {  	v2 =	vld.idx.msk [tilespmem:v2+s2+$0x0], $0xffff;
	vm5 =	vgt.s32 v6, $0x0  }
0x1e2: {  	v6 =	vnsel vm5, $0x0, v6;
	v12 =	vsel vm5, $0x3F800000, v0;
	v13 =	vld [tilespmem:s18+$0x0]  }
0x1e3: {  	v3 =	vld.idx.msk [tilespmem:v3+s2+$0x0], $0xffff;
	vm4 =	vgt.s32 v8, $0x0  }
0x1e4: {  	v8 =	vnsel vm4, $0x0, v8;
	v14 =	vsel vm4, $0x3F800000, v0;
	v15 =	vld [tilespmem:s18+$0x10]  }
0x1e5: {  	s21 =	sand.u32 $0x1FF8, s19;
	s19 =	smov.u32 s20;
	v4 =	vld.idx.msk [tilespmem:v4+s2+$0x0], $0xffff;
	vm1 =	vgt.s32 v11, $0x0  }
0x1e6: {  	v11 =	vnsel vm1, $0x0, v11;
	v16 =	vsel vm1, $0x3F800000, v0;
	v17 =	vld [tilespmem:s21+$0x18780]  }
0x1e7: {  	v2 =	vadd.f32 $0.0e+00, v2;
	v6 =	vld.idx.msk [tilespmem:v6+s2+$0x0], $0xffff;
	vm2 =	vgt.s32 v13, $0x0  }
0x1e8: {  	v13 =	vnsel vm2, $0x0, v13;
	v18 =	vsel vm2, $0x3F800000, v0;
	v19 =	vld [tilespmem:s18+$0x30]  }
0x1e9: {  	v2 =	vnsel vm3, $0x0, v2;
	v3 =	vnsel vm7, $0x0, v3;
	v8 =	vld.idx.msk [tilespmem:v8+s2+$0x0], $0xffff;
	vm3 =	vgt.s32 v15, $0x0  }
0x1ea: {  	v2 =	vadd.f32 v3, v2;
	v3 =	vnsel vm3, $0x0, v15;
	v15 =	vsel vm3, $0x3F800000, v0;
	v20 =	vld [tilespmem:s18+$0x40]  }
0x1eb: {  	v5 =	vadd.f32 v7, v5;
	v4 =	vnsel vm6, $0x0, v4;
	v7 =	vld.idx.msk [tilespmem:v11+s2+$0x0], $0xffff;
	vm6 =	vgt.s32 v17, $0x0  }
0x1ec: {  	v2 =	vadd.f32 v4, v2;
	v4 =	vnsel vm6, $0x0, v17;
	v11 =	vsel vm6, $0x3F800000, v0;
	v17 =	vld [tilespmem:s18+$0x60]  }
0x1ed: {  	v5 =	vadd.f32 v10, v5;
	v6 =	vnsel vm5, $0x0, v6;
	v10 =	vld.idx.msk [tilespmem:v13+s2+$0x0], $0xffff;
	vm5 =	vgt.s32 v19, $0x0  }
0x1ee: {  	v2 =	vadd.f32 v6, v2;
	v6 =	vnsel vm5, $0x0, v19;
	v13 =	vsel vm5, $0x3F800000, v0  }
0x1ef: {  	v5 =	vadd.f32 v12, v5;
	v8 =	vnsel vm4, $0x0, v8;
	v3 =	vld.idx.msk [tilespmem:v3+s2+$0x0], $0xffff;
	vm4 =	vgt.s32 v20, $0x0  }
0x1f0: {  	v2 =	vadd.f32 v8, v2;
	v8 =	vnsel vm4, $0x0, v20;
	v12 =	vsel vm4, $0x3F800000, v0  }
0x1f1: {  	v5 =	vadd.f32 v14, v5;
	v7 =	vnsel vm1, $0x0, v7;
	vm1 =	vgt.s32 v9, $0x0;
	v4 =	vld.idx.msk [tilespmem:v4+s2+$0x0], $0xffff  }
0x1f2: {  	v2 =	vadd.f32 v7, v2;
	v7 =	vnsel vm1, $0x0, v9;
	vm7 =	vgt.s32 v17, $0x0  }
0x1f3: {  	v5 =	vadd.f32 v16, v5;
	v9 =	vnsel vm2, $0x0, v10;
	vm2 =	vmand vm7, vm0;
	v6 =	vld.idx.msk [tilespmem:v6+s2+$0x0], $0xffff  }
0x1f4: {  	v2 =	vadd.f32 v9, v2;
	v9 =	vsel vm1, $0x3F800000, v0;
	v10 =	vnsel vm2, $0x0, v17  }
0x1f5: {  	v5 =	vadd.f32 v18, v5;
	v14 =	vnsel vm7, $0x0, v1;
	v3 =	vnsel vm3, $0x0, v3;
	v8 =	vld.idx.msk [tilespmem:v8+s2+$0x0], $0xffff  }
0x1f6: {  	v2 =	vadd.f32 v3, v2  }
0x1f7: {  	v3 =	vadd.f32 v15, v5;
	v4 =	vnsel vm6, $0x0, v4;
	v5 =	vld.idx.msk [tilespmem:v7+s2+$0x0], $0xffff  }
0x1f8: {  	v2 =	vadd.f32 v4, v2  }
0x1f9: {  	v3 =	vadd.f32 v11, v3;
	v4 =	vnsel vm5, $0x0, v6;
	v6 =	vld.idx.msk [tilespmem:v10+s2+$0x0], $0xffff  }
0x1fa: {  	v2 =	vadd.f32 v4, v2  }
0x1fb: {  	v3 =	vadd.f32 v13, v3;
	v4 =	vnsel vm4, $0x0, v8  }
0x1fc: {  	v2 =	vadd.f32 v4, v2  }
0x1fd: {  	v3 =	vadd.f32 v12, v3;
	v4 =	vnsel vm1, $0x0, v5  }
0x1fe: {  	v2 =	vadd.f32 v4, v2  }
0x1ff: {  	v3 =	vadd.f32 v9, v3;
	v4 =	vnsel vm2, $0x0, v6  }
0x200: {  	v2 =	vadd.f32 v4, v2  }
.Ltmp3:
0x201: {  	s16 =	sadd.s32 $0x10, s16;
	v3 =	vadd.f32 v14, v3;
	(pc) =	sbr.rel @p0 .LBB2_8-.Ltmp3, $4  }
0x202: {  	s17 =	sadd.s32 $0x10, s17;
	[tilespmem:s16+$0x0] =	vst v2  }
0x203: {  	s18 =	sadd.s32 $0xC8, s18;
	[tilespmem:s17+$0x0] =	vst v3  }
0x204: {  	v2 =	vld [tilespmem:s18+$0xFFFFFFA0]  }
0x205: {  	s20 =	sadd.s32 $0xC8, s20  }
0x206: {  	v3 =	vld [tilespmem:s18+$0xFFFFFFB0];
	_ =	sdelay $0x1  }
0x207: {  	v4 =	vld [tilespmem:s18+$0xFFFFFFC0]  }
0x208: {  	vm2 =	vgt.s32 v2, $0x0  }
0x209: {  	v5 =	vld [tilespmem:s18+$0xFFFFFFD0];
	v2 =	vnsel vm2, $0x0, v2  }
0x20a: {  	vm4 =	vgt.s32 v3, $0x0  }
0x20b: {  	v6 =	vld [tilespmem:s18+$0xFFFFFFE0];
	v3 =	vnsel vm4, $0x0, v3  }
0x20c: {  	v7 =	vld [tilespmem:s18+$0xFFFFFFF0];
	vm6 =	vgt.s32 v4, $0x0  }
0x20d: {  	v8 =	vld [tilespmem:s18+$0x0];
	v4 =	vnsel vm6, $0x0, v4  }
0x20e: {  	vm7 =	vgt.s32 v5, $0x0;
	v2 =	vld.idx.msk [tilespmem:v2+s2+$0x0], $0xffff  }
0x20f: {  	v12 =	vld [tilespmem:s18+$0x30];
	v5 =	vnsel vm7, $0x0, v5  }
0x210: {  	vm5 =	vgt.s32 v6, $0x0;
	v3 =	vld.idx.msk [tilespmem:v3+s2+$0x0], $0xffff  }
0x211: {  	v9 =	vld [tilespmem:s18+$0x10];
	v6 =	vnsel vm5, $0x0, v6  }
0x212: {  	s19 =	sand.u32 $0x1FF8, s19;
	vm3 =	vgt.s32 v7, $0x0;
	v4 =	vld.idx.msk [tilespmem:v4+s2+$0x0], $0xffff  }
0x213: {  	v10 =	vld [tilespmem:s19+$0x18780];
	v7 =	vnsel vm3, $0x0, v7;
	v2 =	vadd.f32 $0.0e+00, v2  }
0x214: {  	v11 =	vsel vm2, $0x3F800000, v0;
	vm1 =	vgt.s32 v8, $0x0;
	vm13 =	vgt.s32 v12, $0x0;
	v5 =	vld.idx.msk [tilespmem:v5+s2+$0x0], $0xffff  }
0x215: {  	v41 =	vld [tilespmem:s18+$0x40];
	v8 =	vnsel vm1, $0x0, v8;
	v2 =	vnsel vm2, $0x0, v2;
	v3 =	vnsel vm4, $0x0, v3  }
0x216: {  	v13 =	vsel vm4, $0x3F800000, v0;
	v6 =	vld.idx.msk [tilespmem:v6+s2+$0x0], $0xffff;
	vm2 =	vgt.s32 v9, $0x0;
	v2 =	vadd.f32 v3, v2  }
0x217: {  	v14 =	vld [tilespmem:s18+$0x50];
	v11 =	vadd.f32 v13, v11;
	v4 =	vnsel vm6, $0x0, v4;
	v3 =	vnsel vm2, $0x0, v9  }
0x218: {  	vm12 =	vgt.s32 v10, $0x0;
	v42 =	vsel vm6, $0x3F800000, v0;
	v7 =	vld.idx.msk [tilespmem:v7+s2+$0x0], $0xffff;
	v2 =	vadd.f32 v4, v2  }
0x219: {  	v44 =	vld [tilespmem:s18+$0x60];
	v43 =	vnsel vm12, $0x0, v10;
	v11 =	vadd.f32 v42, v11;
	v5 =	vnsel vm7, $0x0, v5  }
0x21a: {  	vm14 =	vgt.s32 v41, $0x0;
	v45 =	vsel vm7, $0x3F800000, v0;
	v8 =	vld.idx.msk [tilespmem:v8+s2+$0x0], $0xffff;
	v2 =	vadd.f32 v5, v2  }
0x21b: {  	v46 =	vnsel vm13, $0x0, v12;
	v11 =	vadd.f32 v45, v11;
	v6 =	vnsel vm5, $0x0, v6  }
0x21c: {  	vm15 =	vgt.s32 v14, $0x0;
	v47 =	vsel vm5, $0x3F800000, v0;
	v3 =	vld.idx.msk [tilespmem:v3+s2+$0x0], $0xffff;
	v2 =	vadd.f32 v6, v2  }
0x21d: {  	v48 =	vnsel vm14, $0x0, v41;
	v49 =	vadd.f32 v47, v11;
	v7 =	vnsel vm3, $0x0, v7  }
0x21e: {  	v50 =	vsel vm3, $0x3F800000, v0;
	v51 =	vnsel vm15, $0x0, v14;
	v4 =	vld.idx.msk [tilespmem:v43+s2+$0x0], $0xffff;
	v2 =	vadd.f32 v7, v2  }
0x21f: {  	vm3 =	vgt.s32 v44, $0x0;
	v8 =	vnsel vm1, $0x0, v8;
	v9 =	vadd.f32 v50, v49  }
0x220: {  	v52 =	vsel vm1, $0x3F800000, v0;
	vm1 =	vmand vm3, vm0;
	v5 =	vld.idx.msk [tilespmem:v46+s2+$0x0], $0xffff;
	v2 =	vadd.f32 v8, v2  }
0x221: {  	v53 =	vnsel vm1, $0x0, v44;
	v9 =	vadd.f32 v52, v9;
	v3 =	vnsel vm2, $0x0, v3  }
0x222: {  	v54 =	vsel vm2, $0x3F800000, v0;
	v6 =	vld.idx.msk [tilespmem:v48+s2+$0x0], $0xffff;
	v2 =	vadd.f32 v3, v2  }
0x223: {  	v4 =	vnsel vm12, $0x0, v4;
	v3 =	vadd.f32 v54, v9  }
0x224: {  	v55 =	vsel vm12, $0x3F800000, v0;
	v7 =	vld.idx.msk [tilespmem:v51+s2+$0x0], $0xffff;
	v2 =	vadd.f32 v4, v2  }
0x225: {  	v56 =	vnsel vm13, $0x0, v5;
	v3 =	vadd.f32 v55, v3  }
0x226: {  	v57 =	vsel vm13, $0x3F800000, v0;
	v8 =	vld.idx.msk [tilespmem:v53+s2+$0x0], $0xffff;
	v2 =	vadd.f32 v56, v2  }
0x227: {  	v58 =	vnsel vm14, $0x0, v6;
	v3 =	vadd.f32 v57, v3  }
0x228: {  	v59 =	vsel vm14, $0x3F800000, v0;
	v2 =	vadd.f32 v58, v2  }
0x229: {  	v60 =	vnsel vm15, $0x0, v7;
	v3 =	vadd.f32 v59, v3  }
0x22a: {  	v61 =	vsel vm15, $0x3F800000, v0;
	v2 =	vadd.f32 v60, v2  }
0x22b: {  	v62 =	vnsel vm1, $0x0, v8;
	v3 =	vadd.f32 v61, v3  }
0x22c: {  	v63 =	vnsel vm3, $0x0, v1;
	v2 =	vadd.f32 v62, v2  }
0x22d: {  	s16 =	sadd.s32 $0x10, s16;
	v3 =	vadd.f32 v63, v3  }
0x22e: {  	s31 =	sadd.s32 $0x10, s17;
	[tilespmem:s16+$0x0] =	vst v2  }
0x22f: {  	[tilespmem:s31+$0x0] =	vst v3  }
0x230: {  	[hbm4b:s8+s2] =	stream.linear.scatter [tilespmem:s13], [sflag:$0x1], $0x800, $0x38;
	[tilespmem:$0x1B080] =	vst v63  }
0x231: {  	s15 =	sadd.s32 $0x1, s15;
	_ =	swait.ge [sflag:s11], $0x800  }
0x232: {  	p0 =	sne.s32 s15, s10;
	[sflag:s11] =	ssyncset.done $0x0  }
.Ltmp4:
0x233: {  	[sflag:s11] =	ssyncadd.s32 $0xFFFFF800;
	(pc) =	sbr.rel @p0 .LBB2_1-.Ltmp4, $4  }
0x234: {  	[hbm4b:s9+s2] =	stream.linear.scatter [tilespmem:s14], [sflag:$0x1], $0x800, $0x38;
	[tilespmem:$0x1B080] =	vst v63  }
0x235: {  	_ =	swait.ge [sflag:s11], $0x800  }
0x236: {  	[sflag:s11] =	ssyncset.done $0x0  }
0x237: {  	[sflag:s11] =	ssyncadd.s32 $0xFFFFF800  }
0x238: {  	_ =	sfence.sel $0x180000  }
0x239: {  	[bflag:$0x0] =	sbarrier.arrive $0xFFFF  }
0x23a: {  	p0 =	sne.s32 s0, $0x0;
	_ =	strace $0x90000047  }
0x23b: {  	s0 =	sadd.s32 @!p0 $0x100000, s1;
	[bflag:$0x2] =	sbarrier.arrive $0xFFFF  }
0x23c: {  	[sflag:s0] =	ssyncadd.tile.s32 @!p0 $0x1;
	_ =	shalt  }
.Lfunc_end2:
_tile_overlayer_lowered:
.L_overlay_start_2:
0x23d: {  	(tag) =	ssettag $0x2  }
0x23e: {  	s0 =	rddreg [dreg:$0x0];
	s2 =	stileid.u32  }
0x23f: {  	s1 =	rddreg [dreg:$0x1];
	p0 =	sne.s32 s2, $0x0  }
0x240: {  	s3 =	rddreg [dreg:$0x2];
	[bflag:$0x3] =	sbarrier.arrive $0xFFFF;
	s2 =	simm.s32 @!p0 $0x1C01  }
0x241: {  	[timem:s3], [sflag:s2] =	dma.local @!p0 [hbm:s0], s1  }
0x242: {  	s0 =	simm.s32 @!p0 $0x1  }
0x243: {  	_ =	swait.ge @!p0 [sflag:s0], s1  }
0x244: {  	s1 =	ssub.s32 @!p0 $0x0, s1;
	[sflag:s0] =	ssyncset.done @!p0 $0x0  }
0x245: {  	[sflag:s0] =	ssyncadd.s32 @!p0 s1  }
0x246: {  	[bflag:$0x3] =	sbarrier.arrive $0xFFFF  }
0x247: {  	_ =	shalt  }

</sc_bundles>
